<compile_context>
chip_gen: v7x
topology: tpu7x:2x2x1
jax: 0.10.2.dev20260603
libtpu: 0.0.44.dev20260713+nightly
codegen_flags: <defaults>
</compile_context>

<pallas_src>
import functools

import jax
import jax.numpy as jnp
from jax import lax
from jax.experimental import pallas as pl
from jax.experimental.pallas import tpu as pltpu
from jax.experimental.pallas import tpu_sc as plsc

N = 10000
E = 320000
D_IN = 128
D_OUT = 10

NUM_CORES = 2
NUM_SUBCORES = 16
NW = NUM_CORES * NUM_SUBCORES
LANES = 16

BLK = 128
BPW = (E // BLK) // NW
W_MAIN = BPW * BLK
W_REM = E - W_MAIN * NW
REM_BASE = W_MAIN * NW
VECS = W_MAIN // LANES
RVECS = W_REM // LANES
NVECS = N // LANES
UNROLL = 4

_mesh = plsc.VectorSubcoreMesh(
    core_axis_name="c", subcore_axis_name="s",
    num_cores=NUM_CORES, num_subcores=NUM_SUBCORES)

_sc_params = pltpu.CompilerParams(needs_layout_passes=False)


@functools.partial(
    pl.kernel,
    out_type=jax.ShapeDtypeStruct((NW, N), jnp.float32),
    mesh=_mesh,
    compiler_params=_sc_params,
    scratch_types=[
        pltpu.VMEM((2, W_MAIN), jnp.int32),
        pltpu.VMEM((2, W_REM), jnp.int32),
        pltpu.VMEM((N,), jnp.float32),
        pltpu.SemaphoreType.DMA,
        pltpu.SemaphoreType.DMA,
    ],
)
def _count_kernel(ei_hbm, out_hbm, ei_v, rem_v, acc_v, sem1, sem2):
    wid = lax.axis_index("s") * NUM_CORES + lax.axis_index("c")
    base = wid * W_MAIN
    c1 = pltpu.async_copy(ei_hbm.at[:, pl.ds(base, W_MAIN)], ei_v, sem1)
    c2 = pltpu.async_copy(ei_hbm.at[:, pl.ds(REM_BASE, W_REM)], rem_v, sem2)

    zeros = jnp.zeros((LANES,), jnp.float32)

    @plsc.parallel_loop(0, NVECS, 1, unroll=UNROLL)
    def _(i):
        acc_v[pl.ds(i * LANES, LANES)] = zeros

    c1.wait()
    c2.wait()

    ones = jnp.ones((LANES,), jnp.float32)

    @plsc.parallel_loop(0, VECS, 1, unroll=UNROLL)
    def _(i):
        idx = ei_v[0, pl.ds(i * LANES, LANES)]
        plsc.addupdate_scatter(acc_v, [idx], ones)

    @pl.when(wid == NW - 1)
    def _():
        @plsc.parallel_loop(0, RVECS, 1, unroll=UNROLL)
        def _(i):
            idx = rem_v[0, pl.ds(i * LANES, LANES)]
            plsc.addupdate_scatter(acc_v, [idx], ones)

    pltpu.sync_copy(acc_v, out_hbm.at[wid])


@functools.partial(
    pl.kernel,
    out_type=jax.ShapeDtypeStruct((NW, N), jnp.float32),
    mesh=_mesh,
    compiler_params=_sc_params,
    scratch_types=[
        pltpu.VMEM((2, W_MAIN), jnp.int32),
        pltpu.VMEM((2, W_REM), jnp.int32),
        pltpu.VMEM((N,), jnp.float32),
        pltpu.VMEM((N,), jnp.float32),
        pltpu.SemaphoreType.DMA,
        pltpu.SemaphoreType.DMA,
        pltpu.SemaphoreType.DMA,
    ],
)
def _edge_kernel(ei_hbm, dinv_hbm, out_hbm, ei_v, rem_v, dinv_v, acc_v,
                 sem1, sem2, sem3):
    wid = lax.axis_index("s") * NUM_CORES + lax.axis_index("c")
    base = wid * W_MAIN
    c1 = pltpu.async_copy(ei_hbm.at[:, pl.ds(base, W_MAIN)], ei_v, sem1)
    c2 = pltpu.async_copy(ei_hbm.at[:, pl.ds(REM_BASE, W_REM)], rem_v, sem2)
    c3 = pltpu.async_copy(dinv_hbm, dinv_v, sem3)

    zeros = jnp.zeros((LANES,), jnp.float32)

    @plsc.parallel_loop(0, NVECS, 1, unroll=UNROLL)
    def _(i):
        acc_v[pl.ds(i * LANES, LANES)] = zeros

    c1.wait()
    c2.wait()
    c3.wait()

    @plsc.parallel_loop(0, VECS, 1, unroll=UNROLL)
    def _(i):
        sl = pl.ds(i * LANES, LANES)
        src = ei_v[0, sl]
        dst = ei_v[1, sl]
        vals = plsc.load_gather(dinv_v, [src])
        plsc.addupdate_scatter(acc_v, [dst], vals)

    @pl.when(wid == NW - 1)
    def _():
        @plsc.parallel_loop(0, RVECS, 1, unroll=UNROLL)
        def _(i):
            sl = pl.ds(i * LANES, LANES)
            src = rem_v[0, sl]
            dst = rem_v[1, sl]
            vals = plsc.load_gather(dinv_v, [src])
            plsc.addupdate_scatter(acc_v, [dst], vals)

    pltpu.sync_copy(acc_v, out_hbm.at[wid])


def _deg_body(partial_ref, dinv_ref, winv_ref):
    deg = jnp.sum(partial_ref[...], axis=0) + 1.0
    dinv_ref[...] = lax.rsqrt(deg)
    winv_ref[...] = 1.0 / deg


_deg_kernel = pl.pallas_call(
    _deg_body,
    out_shape=(
        jax.ShapeDtypeStruct((N,), jnp.float32),
        jax.ShapeDtypeStruct((N,), jnp.float32),
    ),
)


def _final_body(sp_ref, dinv_ref, winv_ref, x_ref, wg_ref, bg_ref, wo_ref, bo_ref, out_ref):
    s = jnp.sum(sp_ref[...], axis=0)
    w = (dinv_ref[...] * s + winv_ref[...]).reshape(1, N)
    v = jnp.dot(w, x_ref[...], preferred_element_type=jnp.float32)
    h = lax.dot_general(v, wg_ref[...], (((1,), (1,)), ((), ())),
                        preferred_element_type=jnp.float32)
    h = h * (1.0 / N) + bg_ref[...]
    logits = lax.dot_general(h, wo_ref[...], (((1,), (1,)), ((), ())),
                             preferred_element_type=jnp.float32)
    logits = logits + bo_ref[...]
    m = jnp.max(logits, axis=1, keepdims=True)
    y = logits - m
    out_ref[...] = y - jnp.log(jnp.sum(jnp.exp(y), axis=1, keepdims=True))


_final_kernel = pl.pallas_call(
    _final_body,
    out_shape=jax.ShapeDtypeStruct((1, D_OUT), jnp.float32),
)


def kernel(x, ei, W_gcn, b_gcn, W_out, b_out):
    partial_cnt = _count_kernel(ei)
    dinv, winv = _deg_kernel(partial_cnt)
    partial_s = _edge_kernel(ei, dinv)
    out = _final_kernel(
        partial_s, dinv, winv, x,
        W_gcn, b_gcn.reshape(1, D_IN), W_out, b_out.reshape(1, D_OUT))
    return out.reshape(D_OUT)

# --- scband reference (transcript-rebuilt; emitter-appended) ---
"""Pipeline reference for scband-gcn-2302102470991 (READ-ONLY COPY).

The authoritative reference and input builder live on the scoring server;
editing this copy changes nothing except your own understanding.
"""

import jax, jax.numpy as jnp
import numpy as np

N = 10000
E = 320000
D_IN = 128
D_OUT = 10


def setup_inputs(seed: int = 0) -> dict:
    key = jax.random.key(seed)
    k1, k2, k3, k4, k5, k6 = jax.random.split(key, 6)
    x = jax.random.normal(k1, (N, D_IN), dtype=jnp.float32)
    ei = jax.random.randint(k2, (2, E), 0, N, dtype=jnp.int32)
    # GCNConv lin: weight [out, in] with bias=False, plus separate bias param
    W_gcn = jax.random.normal(k3, (D_IN, D_IN), dtype=jnp.float32) * (1.0 / np.sqrt(D_IN))
    b_gcn = jnp.zeros((D_IN,), dtype=jnp.float32)
    # output Linear: weight [out_dim, in_dim], bias [out_dim]
    W_out = jax.random.normal(k4, (D_OUT, D_IN), dtype=jnp.float32) * (1.0 / np.sqrt(D_IN))
    b_out = jax.random.normal(k5, (D_OUT,), dtype=jnp.float32) * 0.01
    return {"x": x, "ei": ei, "W_gcn": W_gcn, "b_gcn": b_gcn, "W_out": W_out, "b_out": b_out}


def _gcn_conv(x, ei, W, b):
    # PyG GCNConv with flow='target_to_source':
    #   messages x_j with j = ei[1] (target), aggregated at i = ei[0] (source)
    #   gcn_norm degree index = row (ei[0]) for target_to_source
    n = x.shape[0]
    xt = x @ W.T
    loop = jnp.arange(n, dtype=ei.dtype)
    row = jnp.concatenate([ei[0], loop])  # add self-loops
    col = jnp.concatenate([ei[1], loop])
    ew = jnp.ones(row.shape[0], dtype=xt.dtype)
    deg = jnp.zeros((n,), dtype=xt.dtype).at[row].add(ew)
    dinv = jnp.where(deg > 0, jax.lax.rsqrt(jnp.where(deg > 0, deg, 1.0)), 0.0)
    norm = dinv[row] * ew * dinv[col]
    msg = xt[col] * norm[:, None]  # gather
    out = jnp.zeros_like(xt).at[row].add(msg)  # scatter-add
    return out + b


def reference(x, ei, W_gcn, b_gcn, W_out, b_out):
    h = _gcn_conv(x, ei, W_gcn, b_gcn)
    h = jnp.mean(h, axis=0)
    logits = h @ W_out.T + b_out
    # out_dim != 1, squeeze(0) on 1-D size-10 vector is a no-op
    return jax.nn.log_softmax(logits, axis=0)

if __name__ == "__main__":
    import jax
    _d = setup_inputs()
    print(jax.jit(kernel)(*tuple(_d.values())))

</pallas_src>

<mosaic_0001>
#map = affine_map<(d0, d1) -> (0, 0)>
#map1 = affine_map<(d0, d1) -> (0)>
module attributes {stable_mosaic.version = 14 : i64} {
  func.func @_edge_kernel(%arg0: i32, %arg1: i32, %arg2: memref<2x320000xi32, #tpu.memory_space<hbm>>, %arg3: memref<10000xf32, #tpu.memory_space<hbm>>, %arg4: memref<32x10000xf32, #tpu.memory_space<hbm>>, %arg5: memref<2x9984xi32, #tpu.memory_space<vmem>>, %arg6: memref<2x512xi32, #tpu.memory_space<vmem>>, %arg7: memref<10000xf32, #tpu.memory_space<vmem>>, %arg8: memref<10000xf32, #tpu.memory_space<vmem>>, %arg9: memref<!tpu.dma_semaphore, #tpu.memory_space<semaphore_mem>>, %arg10: memref<!tpu.dma_semaphore, #tpu.memory_space<semaphore_mem>>, %arg11: memref<!tpu.dma_semaphore, #tpu.memory_space<semaphore_mem>>) attributes {dimension_semantics = [#tpu.dimension_semantics<core_parallel>, #tpu.dimension_semantics<subcore_parallel>], iteration_bounds = array<i64: 2, 16>, scalar_prefetch = 0 : i64, scratch_operands = 7 : i64, tpu.core_type = #tpu.core_type<sc_vector_subcore>, window_params = [{transform_indices = #map}, {transform_indices = #map1}, {transform_indices = #map}]} {
    %mul3A = arith.constant 2 : i32
    %mul3A_0 = arith.muli %arg1, %mul3A : i32
    %add3A = arith.addi %mul3A_0, %arg0 : i32
    %mul3A_1 = arith.constant 9984 : i32
    %mul3A_2 = arith.muli %add3A, %mul3A_1 : i32
    %dma_start3A = arith.constant 0 : i32
    %dma_start3A_3 = tpu.memref_slice %arg2[%dma_start3A, %mul3A_2] : memref<2x320000xi32, #tpu.memory_space<hbm>> -> memref<2x9984xi32, #tpu.memory_space<hbm>>
    %dma_start3A_4 = arith.constant 0 : i32
    %dma_start3A_5 = tpu.memref_slice %arg2[%dma_start3A_4, %mul3A_2] : memref<2x320000xi32, #tpu.memory_space<hbm>> -> memref<2x9984xi32, #tpu.memory_space<hbm>>
    tpu.enqueue_dma source(%dma_start3A_5 : memref<2x9984xi32, #tpu.memory_space<hbm>>) target(%arg5 : memref<2x9984xi32, #tpu.memory_space<vmem>>) target_semaphore(%arg9 : memref<!tpu.dma_semaphore, #tpu.memory_space<semaphore_mem>>)
    %dma_start3A_6 = arith.constant 0 : i32
    %dma_start3A_7 = arith.constant 319488 : i32
    %dma_start3A_8 = tpu.memref_slice %arg2[%dma_start3A_6, %dma_start3A_7] : memref<2x320000xi32, #tpu.memory_space<hbm>> -> memref<2x512xi32, #tpu.memory_space<hbm>>
    %dma_start3A_9 = arith.constant 0 : i32
    %dma_start3A_10 = arith.constant 319488 : i32
    %dma_start3A_11 = tpu.memref_slice %arg2[%dma_start3A_9, %dma_start3A_10] : memref<2x320000xi32, #tpu.memory_space<hbm>> -> memref<2x512xi32, #tpu.memory_space<hbm>>
    tpu.enqueue_dma source(%dma_start3A_11 : memref<2x512xi32, #tpu.memory_space<hbm>>) target(%arg6 : memref<2x512xi32, #tpu.memory_space<vmem>>) target_semaphore(%arg10 : memref<!tpu.dma_semaphore, #tpu.memory_space<semaphore_mem>>)
    tpu.enqueue_dma source(%arg3 : memref<10000xf32, #tpu.memory_space<hbm>>) target(%arg7 : memref<10000xf32, #tpu.memory_space<vmem>>) target_semaphore(%arg11 : memref<!tpu.dma_semaphore, #tpu.memory_space<semaphore_mem>>)
    %broadcast_in_dim3A = arith.constant 0.000000e+00 : f32
    %broadcast_in_dim3A_12 = vector.broadcast %broadcast_in_dim3A : f32 to vector<16xf32>
    %parallel_loop3A = arith.constant 0 : i32
    %parallel_loop3A_13 = arith.constant 625 : i32
    %parallel_loop3A_14 = arith.constant 1 : i32
    scf.for %parallel_loop3A_29 = %parallel_loop3A to %parallel_loop3A_13 step %parallel_loop3A_14  : i32 {
      %parallel_loop3A_30 = arith.constant 16 : i32
      %parallel_loop3A_31 = arith.muli %parallel_loop3A_29, %parallel_loop3A_30 : i32
      %parallel_loop3A_32 = arith.index_cast %parallel_loop3A_31 : i32 to index
      %parallel_loop3A_33 = tpu.vector_load %arg8[%parallel_loop3A_32] {strides = array<i32>} : memref<10000xf32, #tpu.memory_space<vmem>>, vector<16xf32>,
      tpu.vector_store %arg8[%parallel_loop3A_32], %broadcast_in_dim3A_12 {strides = array<i32>} : memref<10000xf32, #tpu.memory_space<vmem>>, vector<16xf32>,
    } {sc.loop_unroll_factor = 4 : i64, sc.parallel_access}
    %dma_wait3A = arith.constant 0 : i32
    %dma_wait3A_15 = tpu.memref_slice %arg2[%dma_wait3A, %mul3A_2] : memref<2x320000xi32, #tpu.memory_space<hbm>> -> memref<2x9984xi32, #tpu.memory_space<hbm>>
    %dma_wait3A_16 = arith.constant 0 : i32
    %dma_wait3A_17 = tpu.memref_slice %arg2[%dma_wait3A_16, %mul3A_2] : memref<2x320000xi32, #tpu.memory_space<hbm>> -> memref<2x9984xi32, #tpu.memory_space<hbm>>
    tpu.wait_dma2 semaphore(%arg9 : memref<!tpu.dma_semaphore, #tpu.memory_space<semaphore_mem>>) src(%dma_wait3A_17 : memref<2x9984xi32, #tpu.memory_space<hbm>>) dst(%arg5 : memref<2x9984xi32, #tpu.memory_space<vmem>>)
    %dma_wait3A_18 = arith.constant 0 : i32
    %dma_wait3A_19 = arith.constant 319488 : i32
    %dma_wait3A_20 = tpu.memref_slice %arg2[%dma_wait3A_18, %dma_wait3A_19] : memref<2x320000xi32, #tpu.memory_space<hbm>> -> memref<2x512xi32, #tpu.memory_space<hbm>>
    %dma_wait3A_21 = arith.constant 0 : i32
    %dma_wait3A_22 = arith.constant 319488 : i32
    %dma_wait3A_23 = tpu.memref_slice %arg2[%dma_wait3A_21, %dma_wait3A_22] : memref<2x320000xi32, #tpu.memory_space<hbm>> -> memref<2x512xi32, #tpu.memory_space<hbm>>
    tpu.wait_dma2 semaphore(%arg10 : memref<!tpu.dma_semaphore, #tpu.memory_space<semaphore_mem>>) src(%dma_wait3A_23 : memref<2x512xi32, #tpu.memory_space<hbm>>) dst(%arg6 : memref<2x512xi32, #tpu.memory_space<vmem>>)
    tpu.wait_dma2 semaphore(%arg11 : memref<!tpu.dma_semaphore, #tpu.memory_space<semaphore_mem>>) src(%arg3 : memref<10000xf32, #tpu.memory_space<hbm>>) dst(%arg7 : memref<10000xf32, #tpu.memory_space<vmem>>)
    %parallel_loop3A_24 = arith.constant 0 : i32
    %parallel_loop3A_25 = arith.constant 624 : i32
    %parallel_loop3A_26 = arith.constant 1 : i32
    scf.for %parallel_loop3A_29 = %parallel_loop3A_24 to %parallel_loop3A_25 step %parallel_loop3A_26  : i32 {
      %parallel_loop3A_30 = arith.constant 16 : i32
      %parallel_loop3A_31 = arith.muli %parallel_loop3A_29, %parallel_loop3A_30 : i32
      %parallel_loop3A_32 = arith.constant 0 : i32
      %parallel_loop3A_33 = arith.index_cast %parallel_loop3A_32 : i32 to index
      %parallel_loop3A_34 = arith.index_cast %parallel_loop3A_31 : i32 to index
      %parallel_loop3A_35 = tpu.vector_load %arg5[%parallel_loop3A_33, %parallel_loop3A_34] {strides = array<i32>} : memref<2x9984xi32, #tpu.memory_space<vmem>>, vector<16xi32>,
      %parallel_loop3A_36 = arith.constant 1 : i32
      %parallel_loop3A_37 = arith.index_cast %parallel_loop3A_36 : i32 to index
      %parallel_loop3A_38 = arith.index_cast %parallel_loop3A_31 : i32 to index
      %parallel_loop3A_39 = tpu.vector_load %arg5[%parallel_loop3A_37, %parallel_loop3A_38] {strides = array<i32>} : memref<2x9984xi32, #tpu.memory_space<vmem>>, vector<16xi32>,
      %parallel_loop3A_40 = tpu.vector_load_idx %arg7[%parallel_loop3A_35] : memref<10000xf32, #tpu.memory_space<vmem>>[vector<16xi32>], vector<16xf32>,
      tpu.vector_store_idx %arg8[%parallel_loop3A_39], %parallel_loop3A_40 {add = true} : memref<10000xf32, #tpu.memory_space<vmem>>[vector<16xi32>], vector<16xf32>,
    } {sc.loop_unroll_factor = 4 : i64, sc.parallel_access}
    %eq3A = arith.constant 31 : i32
    %eq3A_27 = arith.cmpi eq, %add3A, %eq3A : i32
    %convert_element_type3A = arith.extui %eq3A_27 : i1 to i32
    %cond3A = arith.constant 0 : i32
    %cond3A_28 = arith.cmpi ne, %convert_element_type3A, %cond3A : i32
    scf.if %cond3A_28 {
      %parallel_loop3A_29 = arith.constant 0 : i32
      %parallel_loop3A_30 = arith.constant 32 : i32
      %parallel_loop3A_31 = arith.constant 1 : i32
      scf.for %parallel_loop3A_32 = %parallel_loop3A_29 to %parallel_loop3A_30 step %parallel_loop3A_31  : i32 {
        %parallel_loop3A_33 = arith.constant 16 : i32
        %parallel_loop3A_34 = arith.muli %parallel_loop3A_32, %parallel_loop3A_33 : i32
        %parallel_loop3A_35 = arith.constant 0 : i32
        %parallel_loop3A_36 = arith.index_cast %parallel_loop3A_35 : i32 to index
        %parallel_loop3A_37 = arith.index_cast %parallel_loop3A_34 : i32 to index
        %parallel_loop3A_38 = tpu.vector_load %arg6[%parallel_loop3A_36, %parallel_loop3A_37] {strides = array<i32>} : memref<2x512xi32, #tpu.memory_space<vmem>>, vector<16xi32>,
        %parallel_loop3A_39 = arith.constant 1 : i32
        %parallel_loop3A_40 = arith.index_cast %parallel_loop3A_39 : i32 to index
        %parallel_loop3A_41 = arith.index_cast %parallel_loop3A_34 : i32 to index
        %parallel_loop3A_42 = tpu.vector_load %arg6[%parallel_loop3A_40, %parallel_loop3A_41] {strides = array<i32>} : memref<2x512xi32, #tpu.memory_space<vmem>>, vector<16xi32>,
        %parallel_loop3A_43 = tpu.vector_load_idx %arg7[%parallel_loop3A_38] : memref<10000xf32, #tpu.memory_space<vmem>>[vector<16xi32>], vector<16xf32>,
        tpu.vector_store_idx %arg8[%parallel_loop3A_42], %parallel_loop3A_43 {add = true} : memref<10000xf32, #tpu.memory_space<vmem>>[vector<16xi32>], vector<16xf32>,
      } {sc.loop_unroll_factor = 4 : i64, sc.parallel_access}
    } else {
    }
    "tpu.region"() ({
      %run_scoped3A = tpu.sem_alloc : memref<!tpu.dma_semaphore, #tpu.memory_space<semaphore_mem>>
      %dma_start3A_29 = arith.constant 0 : i32
      %dma_start3A_30 = tpu.memref_slice %arg4[%add3A, %dma_start3A_29] : memref<32x10000xf32, #tpu.memory_space<hbm>> -> memref<1x10000xf32, #tpu.memory_space<hbm>>
      %dma_start3A_31 = tpu.memref_squeeze %dma_start3A_30 : memref<1x10000xf32, #tpu.memory_space<hbm>> -> memref<10000xf32, #tpu.memory_space<hbm>>
      %dma_start3A_32 = arith.constant 0 : i32
      %dma_start3A_33 = tpu.memref_slice %arg4[%add3A, %dma_start3A_32] : memref<32x10000xf32, #tpu.memory_space<hbm>> -> memref<1x10000xf32, #tpu.memory_space<hbm>>
      %dma_start3A_34 = tpu.memref_squeeze %dma_start3A_33 : memref<1x10000xf32, #tpu.memory_space<hbm>> -> memref<10000xf32, #tpu.memory_space<hbm>>
      tpu.enqueue_dma source(%arg8 : memref<10000xf32, #tpu.memory_space<vmem>>) target(%dma_start3A_34 : memref<10000xf32, #tpu.memory_space<hbm>>) target_semaphore(%run_scoped3A : memref<!tpu.dma_semaphore, #tpu.memory_space<semaphore_mem>>)
      %dma_wait3A_35 = arith.constant 0 : i32
      %dma_wait3A_36 = tpu.memref_slice %arg4[%add3A, %dma_wait3A_35] : memref<32x10000xf32, #tpu.memory_space<hbm>> -> memref<1x10000xf32, #tpu.memory_space<hbm>>
      %dma_wait3A_37 = tpu.memref_squeeze %dma_wait3A_36 : memref<1x10000xf32, #tpu.memory_space<hbm>> -> memref<10000xf32, #tpu.memory_space<hbm>>
      %dma_wait3A_38 = arith.constant 0 : i32
      %dma_wait3A_39 = tpu.memref_slice %arg4[%add3A, %dma_wait3A_38] : memref<32x10000xf32, #tpu.memory_space<hbm>> -> memref<1x10000xf32, #tpu.memory_space<hbm>>
      %dma_wait3A_40 = tpu.memref_squeeze %dma_wait3A_39 : memref<1x10000xf32, #tpu.memory_space<hbm>> -> memref<10000xf32, #tpu.memory_space<hbm>>
      tpu.wait_dma2 semaphore(%run_scoped3A : memref<!tpu.dma_semaphore, #tpu.memory_space<semaphore_mem>>) src(%arg8 : memref<10000xf32, #tpu.memory_space<vmem>>) dst(%dma_wait3A_40 : memref<10000xf32, #tpu.memory_space<hbm>>)
      tpu.yield
    }) : () -> ()
    return
  }
}

#map = affine_map<(d0, d1) -> (0, 0)>
module attributes {stable_mosaic.version = 14 : i64} {
  func.func @_count_kernel(%arg0: i32, %arg1: i32, %arg2: memref<2x320000xi32, #tpu.memory_space<hbm>>, %arg3: memref<32x10000xf32, #tpu.memory_space<hbm>>, %arg4: memref<2x9984xi32, #tpu.memory_space<vmem>>, %arg5: memref<2x512xi32, #tpu.memory_space<vmem>>, %arg6: memref<10000xf32, #tpu.memory_space<vmem>>, %arg7: memref<!tpu.dma_semaphore, #tpu.memory_space<semaphore_mem>>, %arg8: memref<!tpu.dma_semaphore, #tpu.memory_space<semaphore_mem>>) attributes {dimension_semantics = [#tpu.dimension_semantics<core_parallel>, #tpu.dimension_semantics<subcore_parallel>], iteration_bounds = array<i64: 2, 16>, scalar_prefetch = 0 : i64, scratch_operands = 5 : i64, tpu.core_type = #tpu.core_type<sc_vector_subcore>, window_params = [{transform_indices = #map}, {transform_indices = #map}]} {
    %mul3A = arith.constant 2 : i32
    %mul3A_0 = arith.muli %arg1, %mul3A : i32
    %add3A = arith.addi %mul3A_0, %arg0 : i32
    %mul3A_1 = arith.constant 9984 : i32
    %mul3A_2 = arith.muli %add3A, %mul3A_1 : i32
    %dma_start3A = arith.constant 0 : i32
    %dma_start3A_3 = tpu.memref_slice %arg2[%dma_start3A, %mul3A_2] : memref<2x320000xi32, #tpu.memory_space<hbm>> -> memref<2x9984xi32, #tpu.memory_space<hbm>>
    %dma_start3A_4 = arith.constant 0 : i32
    %dma_start3A_5 = tpu.memref_slice %arg2[%dma_start3A_4, %mul3A_2] : memref<2x320000xi32, #tpu.memory_space<hbm>> -> memref<2x9984xi32, #tpu.memory_space<hbm>>
    tpu.enqueue_dma source(%dma_start3A_5 : memref<2x9984xi32, #tpu.memory_space<hbm>>) target(%arg4 : memref<2x9984xi32, #tpu.memory_space<vmem>>) target_semaphore(%arg7 : memref<!tpu.dma_semaphore, #tpu.memory_space<semaphore_mem>>)
    %dma_start3A_6 = arith.constant 0 : i32
    %dma_start3A_7 = arith.constant 319488 : i32
    %dma_start3A_8 = tpu.memref_slice %arg2[%dma_start3A_6, %dma_start3A_7] : memref<2x320000xi32, #tpu.memory_space<hbm>> -> memref<2x512xi32, #tpu.memory_space<hbm>>
    %dma_start3A_9 = arith.constant 0 : i32
    %dma_start3A_10 = arith.constant 319488 : i32
    %dma_start3A_11 = tpu.memref_slice %arg2[%dma_start3A_9, %dma_start3A_10] : memref<2x320000xi32, #tpu.memory_space<hbm>> -> memref<2x512xi32, #tpu.memory_space<hbm>>
    tpu.enqueue_dma source(%dma_start3A_11 : memref<2x512xi32, #tpu.memory_space<hbm>>) target(%arg5 : memref<2x512xi32, #tpu.memory_space<vmem>>) target_semaphore(%arg8 : memref<!tpu.dma_semaphore, #tpu.memory_space<semaphore_mem>>)
    %broadcast_in_dim3A = arith.constant 0.000000e+00 : f32
    %broadcast_in_dim3A_12 = vector.broadcast %broadcast_in_dim3A : f32 to vector<16xf32>
    %parallel_loop3A = arith.constant 0 : i32
    %parallel_loop3A_13 = arith.constant 625 : i32
    %parallel_loop3A_14 = arith.constant 1 : i32
    scf.for %parallel_loop3A_31 = %parallel_loop3A to %parallel_loop3A_13 step %parallel_loop3A_14  : i32 {
      %parallel_loop3A_32 = arith.constant 16 : i32
      %parallel_loop3A_33 = arith.muli %parallel_loop3A_31, %parallel_loop3A_32 : i32
      %parallel_loop3A_34 = arith.index_cast %parallel_loop3A_33 : i32 to index
      %parallel_loop3A_35 = tpu.vector_load %arg6[%parallel_loop3A_34] {strides = array<i32>} : memref<10000xf32, #tpu.memory_space<vmem>>, vector<16xf32>,
      tpu.vector_store %arg6[%parallel_loop3A_34], %broadcast_in_dim3A_12 {strides = array<i32>} : memref<10000xf32, #tpu.memory_space<vmem>>, vector<16xf32>,
    } {sc.loop_unroll_factor = 4 : i64, sc.parallel_access}
    %dma_wait3A = arith.constant 0 : i32
    %dma_wait3A_15 = tpu.memref_slice %arg2[%dma_wait3A, %mul3A_2] : memref<2x320000xi32, #tpu.memory_space<hbm>> -> memref<2x9984xi32, #tpu.memory_space<hbm>>
    %dma_wait3A_16 = arith.constant 0 : i32
    %dma_wait3A_17 = tpu.memref_slice %arg2[%dma_wait3A_16, %mul3A_2] : memref<2x320000xi32, #tpu.memory_space<hbm>> -> memref<2x9984xi32, #tpu.memory_space<hbm>>
    tpu.wait_dma2 semaphore(%arg7 : memref<!tpu.dma_semaphore, #tpu.memory_space<semaphore_mem>>) src(%dma_wait3A_17 : memref<2x9984xi32, #tpu.memory_space<hbm>>) dst(%arg4 : memref<2x9984xi32, #tpu.memory_space<vmem>>)
    %dma_wait3A_18 = arith.constant 0 : i32
    %dma_wait3A_19 = arith.constant 319488 : i32
    %dma_wait3A_20 = tpu.memref_slice %arg2[%dma_wait3A_18, %dma_wait3A_19] : memref<2x320000xi32, #tpu.memory_space<hbm>> -> memref<2x512xi32, #tpu.memory_space<hbm>>
    %dma_wait3A_21 = arith.constant 0 : i32
    %dma_wait3A_22 = arith.constant 319488 : i32
    %dma_wait3A_23 = tpu.memref_slice %arg2[%dma_wait3A_21, %dma_wait3A_22] : memref<2x320000xi32, #tpu.memory_space<hbm>> -> memref<2x512xi32, #tpu.memory_space<hbm>>
    tpu.wait_dma2 semaphore(%arg8 : memref<!tpu.dma_semaphore, #tpu.memory_space<semaphore_mem>>) src(%dma_wait3A_23 : memref<2x512xi32, #tpu.memory_space<hbm>>) dst(%arg5 : memref<2x512xi32, #tpu.memory_space<vmem>>)
    %broadcast_in_dim3A_24 = arith.constant 1.000000e+00 : f32
    %broadcast_in_dim3A_25 = vector.broadcast %broadcast_in_dim3A_24 : f32 to vector<16xf32>
    %parallel_loop3A_26 = arith.constant 0 : i32
    %parallel_loop3A_27 = arith.constant 624 : i32
    %parallel_loop3A_28 = arith.constant 1 : i32
    scf.for %parallel_loop3A_31 = %parallel_loop3A_26 to %parallel_loop3A_27 step %parallel_loop3A_28  : i32 {
      %parallel_loop3A_32 = arith.constant 16 : i32
      %parallel_loop3A_33 = arith.muli %parallel_loop3A_31, %parallel_loop3A_32 : i32
      %parallel_loop3A_34 = arith.constant 0 : i32
      %parallel_loop3A_35 = arith.index_cast %parallel_loop3A_34 : i32 to index
      %parallel_loop3A_36 = arith.index_cast %parallel_loop3A_33 : i32 to index
      %parallel_loop3A_37 = tpu.vector_load %arg4[%parallel_loop3A_35, %parallel_loop3A_36] {strides = array<i32>} : memref<2x9984xi32, #tpu.memory_space<vmem>>, vector<16xi32>,
      tpu.vector_store_idx %arg6[%parallel_loop3A_37], %broadcast_in_dim3A_25 {add = true} : memref<10000xf32, #tpu.memory_space<vmem>>[vector<16xi32>], vector<16xf32>,
    } {sc.loop_unroll_factor = 4 : i64, sc.parallel_access}
    %eq3A = arith.constant 31 : i32
    %eq3A_29 = arith.cmpi eq, %add3A, %eq3A : i32
    %convert_element_type3A = arith.extui %eq3A_29 : i1 to i32
    %cond3A = arith.constant 0 : i32
    %cond3A_30 = arith.cmpi ne, %convert_element_type3A, %cond3A : i32
    scf.if %cond3A_30 {
      %parallel_loop3A_31 = arith.constant 0 : i32
      %parallel_loop3A_32 = arith.constant 32 : i32
      %parallel_loop3A_33 = arith.constant 1 : i32
      scf.for %parallel_loop3A_34 = %parallel_loop3A_31 to %parallel_loop3A_32 step %parallel_loop3A_33  : i32 {
        %parallel_loop3A_35 = arith.constant 16 : i32
        %parallel_loop3A_36 = arith.muli %parallel_loop3A_34, %parallel_loop3A_35 : i32
        %parallel_loop3A_37 = arith.constant 0 : i32
        %parallel_loop3A_38 = arith.index_cast %parallel_loop3A_37 : i32 to index
        %parallel_loop3A_39 = arith.index_cast %parallel_loop3A_36 : i32 to index
        %parallel_loop3A_40 = tpu.vector_load %arg5[%parallel_loop3A_38, %parallel_loop3A_39] {strides = array<i32>} : memref<2x512xi32, #tpu.memory_space<vmem>>, vector<16xi32>,
        tpu.vector_store_idx %arg6[%parallel_loop3A_40], %broadcast_in_dim3A_25 {add = true} : memref<10000xf32, #tpu.memory_space<vmem>>[vector<16xi32>], vector<16xf32>,
      } {sc.loop_unroll_factor = 4 : i64, sc.parallel_access}
    } else {
    }
    "tpu.region"() ({
      %run_scoped3A = tpu.sem_alloc : memref<!tpu.dma_semaphore, #tpu.memory_space<semaphore_mem>>
      %dma_start3A_31 = arith.constant 0 : i32
      %dma_start3A_32 = tpu.memref_slice %arg3[%add3A, %dma_start3A_31] : memref<32x10000xf32, #tpu.memory_space<hbm>> -> memref<1x10000xf32, #tpu.memory_space<hbm>>
      %dma_start3A_33 = tpu.memref_squeeze %dma_start3A_32 : memref<1x10000xf32, #tpu.memory_space<hbm>> -> memref<10000xf32, #tpu.memory_space<hbm>>
      %dma_start3A_34 = arith.constant 0 : i32
      %dma_start3A_35 = tpu.memref_slice %arg3[%add3A, %dma_start3A_34] : memref<32x10000xf32, #tpu.memory_space<hbm>> -> memref<1x10000xf32, #tpu.memory_space<hbm>>
      %dma_start3A_36 = tpu.memref_squeeze %dma_start3A_35 : memref<1x10000xf32, #tpu.memory_space<hbm>> -> memref<10000xf32, #tpu.memory_space<hbm>>
      tpu.enqueue_dma source(%arg6 : memref<10000xf32, #tpu.memory_space<vmem>>) target(%dma_start3A_36 : memref<10000xf32, #tpu.memory_space<hbm>>) target_semaphore(%run_scoped3A : memref<!tpu.dma_semaphore, #tpu.memory_space<semaphore_mem>>)
      %dma_wait3A_37 = arith.constant 0 : i32
      %dma_wait3A_38 = tpu.memref_slice %arg3[%add3A, %dma_wait3A_37] : memref<32x10000xf32, #tpu.memory_space<hbm>> -> memref<1x10000xf32, #tpu.memory_space<hbm>>
      %dma_wait3A_39 = tpu.memref_squeeze %dma_wait3A_38 : memref<1x10000xf32, #tpu.memory_space<hbm>> -> memref<10000xf32, #tpu.memory_space<hbm>>
      %dma_wait3A_40 = arith.constant 0 : i32
      %dma_wait3A_41 = tpu.memref_slice %arg3[%add3A, %dma_wait3A_40] : memref<32x10000xf32, #tpu.memory_space<hbm>> -> memref<1x10000xf32, #tpu.memory_space<hbm>>
      %dma_wait3A_42 = tpu.memref_squeeze %dma_wait3A_41 : memref<1x10000xf32, #tpu.memory_space<hbm>> -> memref<10000xf32, #tpu.memory_space<hbm>>
      tpu.wait_dma2 semaphore(%run_scoped3A : memref<!tpu.dma_semaphore, #tpu.memory_space<semaphore_mem>>) src(%arg6 : memref<10000xf32, #tpu.memory_space<vmem>>) dst(%dma_wait3A_42 : memref<10000xf32, #tpu.memory_space<hbm>>)
      tpu.yield
    }) : () -> ()
    return
  }
}

module attributes {stable_mosaic.version = 14 : i64} {
  func.func @_deg_body(%arg0: memref<32x10000xf32, #tpu.memory_space<vmem>>, %arg1: memref<10000xf32, #tpu.memory_space<vmem>>, %arg2: memref<10000xf32, #tpu.memory_space<vmem>>) attributes {dimension_semantics = [], scalar_prefetch = 0 : i64, scratch_operands = 0 : i64, tpu.core_type = #tpu.core_type<tc>} {
    %get3A = arith.constant 0 : index
    %get3A_0 = arith.constant 0 : index
    %get3A_1 = vector.load %arg0[%get3A, %get3A_0] : memref<32x10000xf32, #tpu.memory_space<vmem>>, vector<32x10000xf32>
    %reduce_sum3A = arith.constant dense<0.000000e+00> : vector<10000xf32>
    %reduce_sum3A_2 = vector.multi_reduction <add>, %get3A_1, %reduce_sum3A [0] : vector<32x10000xf32> to vector<10000xf32>
    %add3A = arith.constant 1.000000e+00 : f32
    %add3A_3 = vector.broadcast %add3A : f32 to vector<10000xf32>
    %add3A_4 = arith.addf %reduce_sum3A_2, %add3A_3 : vector<10000xf32>
    %rsqrt3A = math.rsqrt %add3A_4 : vector<10000xf32>
    %swap3A = arith.constant 0 : index
    %swap3A_5 = vector.load %arg1[%swap3A] : memref<10000xf32, #tpu.memory_space<vmem>>, vector<10000xf32>
    tpu.vector_store %arg1[%swap3A], %rsqrt3A {strides = array<i32>} : memref<10000xf32, #tpu.memory_space<vmem>>, vector<10000xf32>,
    %div3A = arith.constant 1.000000e+00 : f32
    %div3A_6 = vector.broadcast %div3A : f32 to vector<10000xf32>
    %div3A_7 = arith.divf %div3A_6, %add3A_4 : vector<10000xf32>
    %swap3A_8 = arith.constant 0 : index
    %swap3A_9 = vector.load %arg2[%swap3A_8] : memref<10000xf32, #tpu.memory_space<vmem>>, vector<10000xf32>
    tpu.vector_store %arg2[%swap3A_8], %div3A_7 {strides = array<i32>} : memref<10000xf32, #tpu.memory_space<vmem>>, vector<10000xf32>,
    return
  }
}

module attributes {stable_mosaic.version = 14 : i64} {
  func.func @_final_body(%arg0: memref<32x10000xf32, #tpu.memory_space<vmem>>, %arg1: memref<10000xf32, #tpu.memory_space<vmem>>, %arg2: memref<10000xf32, #tpu.memory_space<vmem>>, %arg3: memref<10000x128xf32, #tpu.memory_space<vmem>>, %arg4: memref<128x128xf32, #tpu.memory_space<vmem>>, %arg5: memref<1x128xf32, #tpu.memory_space<vmem>>, %arg6: memref<10x128xf32, #tpu.memory_space<vmem>>, %arg7: memref<1x10xf32, #tpu.memory_space<vmem>>, %arg8: memref<1x10xf32, #tpu.memory_space<vmem>>) attributes {dimension_semantics = [], scalar_prefetch = 0 : i64, scratch_operands = 0 : i64, tpu.core_type = #tpu.core_type<tc>} {
    %get3A = arith.constant 0 : index
    %get3A_0 = arith.constant 0 : index
    %get3A_1 = vector.load %arg0[%get3A, %get3A_0] : memref<32x10000xf32, #tpu.memory_space<vmem>>, vector<32x10000xf32>
    %reduce_sum3A = arith.constant dense<0.000000e+00> : vector<10000xf32>
    %reduce_sum3A_2 = vector.multi_reduction <add>, %get3A_1, %reduce_sum3A [0] : vector<32x10000xf32> to vector<10000xf32>
    %get3A_3 = arith.constant 0 : index
    %get3A_4 = vector.load %arg1[%get3A_3] : memref<10000xf32, #tpu.memory_space<vmem>>, vector<10000xf32>
    %mul3A = arith.mulf %get3A_4, %reduce_sum3A_2 : vector<10000xf32>
    %get3A_5 = arith.constant 0 : index
    %get3A_6 = vector.load %arg2[%get3A_5] : memref<10000xf32, #tpu.memory_space<vmem>>, vector<10000xf32>
    %add3A = arith.addf %mul3A, %get3A_6 : vector<10000xf32>
    %reshape3A = vector.shape_cast %add3A : vector<10000xf32> to vector<1x10000xf32>
    %get3A_7 = arith.constant 0 : index
    %get3A_8 = arith.constant 0 : index
    %get3A_9 = vector.load %arg3[%get3A_7, %get3A_8] : memref<10000x128xf32, #tpu.memory_space<vmem>>, vector<10000x128xf32>
    %dot_general3A = arith.constant dense<0.000000e+00> : vector<1x128xf32>
    %dot_general3A_10 = tpu.matmul %reshape3A, %get3A_9, %dot_general3A {dimension_numbers = #tpu.dot_dimension_numbers<[1], [0], [0], [1], [0, 0, 1, 1], [], []>, transpose_lhs_hint = false} : vector<1x10000xf32>, vector<10000x128xf32>, vector<1x128xf32> -> vector<1x128xf32>
    %get3A_11 = arith.constant 0 : index
    %get3A_12 = arith.constant 0 : index
    %get3A_13 = vector.load %arg4[%get3A_11, %get3A_12] : memref<128x128xf32, #tpu.memory_space<vmem>>, vector<128x128xf32>
    %dot_general3A_14 = arith.constant dense<0.000000e+00> : vector<1x128xf32>
    %dot_general3A_15 = tpu.matmul %dot_general3A_10, %get3A_13, %dot_general3A_14 {dimension_numbers = #tpu.dot_dimension_numbers<[1], [1], [0], [0], [0, 0, 1, 0], [], []>, transpose_lhs_hint = false} : vector<1x128xf32>, vector<128x128xf32>, vector<1x128xf32> -> vector<1x128xf32>
    %mul3A_16 = arith.constant 9.99999974E-5 : f32
    %mul3A_17 = vector.broadcast %mul3A_16 : f32 to vector<1x128xf32>
    %mul3A_18 = arith.mulf %dot_general3A_15, %mul3A_17 : vector<1x128xf32>
    %get3A_19 = arith.constant 0 : index
    %get3A_20 = arith.constant 0 : index
    %get3A_21 = vector.load %arg5[%get3A_19, %get3A_20] : memref<1x128xf32, #tpu.memory_space<vmem>>, vector<1x128xf32>
    %add3A_22 = arith.addf %mul3A_18, %get3A_21 : vector<1x128xf32>
    %get3A_23 = arith.constant 0 : index
    %get3A_24 = arith.constant 0 : index
    %get3A_25 = vector.load %arg6[%get3A_23, %get3A_24] : memref<10x128xf32, #tpu.memory_space<vmem>>, vector<10x128xf32>
    %dot_general3A_26 = arith.constant dense<0.000000e+00> : vector<1x10xf32>
    %dot_general3A_27 = tpu.matmul %add3A_22, %get3A_25, %dot_general3A_26 {dimension_numbers = #tpu.dot_dimension_numbers<[1], [1], [0], [0], [0, 0, 1, 0], [], []>, transpose_lhs_hint = false} : vector<1x128xf32>, vector<10x128xf32>, vector<1x10xf32> -> vector<1x10xf32>
    %get3A_28 = arith.constant 0 : index
    %get3A_29 = arith.constant 0 : index
    %get3A_30 = vector.load %arg7[%get3A_28, %get3A_29] : memref<1x10xf32, #tpu.memory_space<vmem>>, vector<1x10xf32>
    %add3A_31 = arith.addf %dot_general3A_27, %get3A_30 : vector<1x10xf32>
    %reduce_max3A = arith.constant dense<0xFF800000> : vector<1xf32>
    %reduce_max3A_32 = vector.multi_reduction <maximumf>, %add3A_31, %reduce_max3A [1] : vector<1x10xf32> to vector<1xf32>
    %broadcast_in_dim3A = vector.shape_cast %reduce_max3A_32 : vector<1xf32> to vector<1x1xf32>
    %sub3A = vector.broadcast %broadcast_in_dim3A : vector<1x1xf32> to vector<1x10xf32>
    %sub3A_33 = arith.subf %add3A_31, %sub3A : vector<1x10xf32>
    %exp3A = math.exp %sub3A_33 : vector<1x10xf32>
    %reduce_sum3A_34 = arith.constant dense<0.000000e+00> : vector<1xf32>
    %reduce_sum3A_35 = vector.multi_reduction <add>, %exp3A, %reduce_sum3A_34 [1] : vector<1x10xf32> to vector<1xf32>
    %broadcast_in_dim3A_36 = vector.shape_cast %reduce_sum3A_35 : vector<1xf32> to vector<1x1xf32>
    %log3A = math.log %broadcast_in_dim3A_36 : vector<1x1xf32>
    %sub3A_37 = vector.broadcast %log3A : vector<1x1xf32> to vector<1x10xf32>
    %sub3A_38 = arith.subf %sub3A_33, %sub3A_37 : vector<1x10xf32>
    %swap3A = arith.constant 0 : index
    %swap3A_39 = arith.constant 0 : index
    %swap3A_40 = vector.load %arg8[%swap3A, %swap3A_39] : memref<1x10xf32, #tpu.memory_space<vmem>>, vector<1x10xf32>
    tpu.vector_store %arg8[%swap3A, %swap3A_39], %sub3A_38 {strides = array<i32>} : memref<1x10xf32, #tpu.memory_space<vmem>>, vector<1x10xf32>,
    return
  }
}

</mosaic_0001>

<sc_bundles>
// kernel: kernel.6.cloned.1.call-start
scs
__scs_entry_jumppad:
0x0: {  	(pc) =	sbr.rel $0x88, $3  }
0x1: {  	(tag) =	ssettag $0x0;
	lr =	simm.s32 $0x1  }
0x2: {  	[smem:$0x3F9B] =	sst lr;
	_ =	strace $0xD0000000  }
0x3: {  	_ = 	snop  }
0x4: {  	_ = 	snop  }
0x5: {  	_ = 	snop  }
0x6: {  	_ = 	snop  }
0x7: {  	_ = 	snop  }
__scs_overlays_trampoline_lowered:
0x8: {  	[smem:$0x3FAA] =	sst s0  }
0x9: {  	[smem:$0x3FAB] =	sst s1  }
0xa: {  	[smem:$0x3FAC] =	sst s2  }
0xb: {  	[smem:$0x3FAD] =	sst s3  }
0xc: {  	[smem:$0x3FAE] =	sst s4  }
0xd: {  	[smem:$0x3FAF] =	sst s5  }
0xe: {  	[smem:$0x3FB0] =	sst s6  }
0xf: {  	[smem:$0x3FB1] =	sst s7  }
0x10: {  	[smem:$0x3FB2] =	sst s8  }
0x11: {  	[smem:$0x3FB3] =	sst s9;
	s0 =	simm.s32 @!p0 $0x0  }
0x12: {  	s1 =	sld [smem:$0x3F99];
	s0 =	simm.s32 @p0 $0x1  }
0x13: {  	[smem:$0x3FB4] =	sst s0;
	s0 =	simm.s32 @!p1 $0x0  }
0x14: {  	s2 =	sld [smem:$0x3F98];
	s0 =	simm.s32 @p1 $0x1  }
0x15: {  	[smem:$0x3FB5] =	sst s0;
	s0 =	simm.s32 @!p2 $0x0  }
0x16: {  	s3 =	sld [smem:$0x3FDB];
	s0 =	simm.s32 @p2 $0x1  }
0x17: {  	s4 =	simm.s32 $0x1BF5;
	[smem:$0x3FB7] =	sst s0  }
0x18: {  	s0 =	sld [smem:$0x3F9A];
	_ =	swait.ge [sflag:s4], $0x0  }
0x19: {  	s7 =	sld [smem:$0x3F9B]  }
0x1a: {  	s8 =	sadd.s32 $0xFFFFE003, lr  }
0x1b: {  	s9 =	sadd.s32 $0xFFFFFEF7, lr;
	s5 =	simm.s32 $0xFFFFFFFF;
	p2 =	slt.u32 s8, $0xFFFFF086  }
0x1c: {  	p1 =	slt.u32 s9, $0xF7A;
	s5 =	simm.s32 @!p2 $0x0  }
0x1d: {  	s5 =	simm.s32 @p1 $0x1;
	p0 =	seq.s32 s7, s2  }
0x1e: {  	s7 =	smul.u32 @!p0 $0xF7A, s2;
	p2 =	seq.s32 @!p0 s5, $0x0  }
0x1f: {  	s9 =	smul.u32 $0xF7A, s1;
	s8 =	simm.s32 @!p0 $0x1BF5;
	p2 =	por !p2, p0  }
0x20: {  	[sflag:s8] =	ssyncset.s32 @!p0 $0xFFFFF086;
	s6 =	sadd.s32 @!p0 s3, s7;
	s7 =	simm.s32 @!p0 $0x108  }
0x21: {  	s3 =	sadd.s32 s3, s9;
	s6 =	sadd.s32 @!p0 $0x88, s6;
	s7 =	simm.s32 @p2 $0x1082  }
0x22: {  	[simem:s7], [sflag:s8] =	dma.local @!p0 [hbm:s6], $0xF7A  }
0x23: {  	s9 =	sor.u32 $0xD0000000, s2;
	s6 =	simm.s32 $0x108;
	_ =	swait.ge @!p0 [sflag:s8], $0x0  }
0x24: {  	s3 =	sadd.s32 $0x88, s3;
	s6 =	simm.s32 @!p1 $0x1082;
	[sflag:s4] =	ssyncset.s32 $0xFFFFF086  }
0x25: {  	[simem:s6], [sflag:s4] =	dma.local [hbm:s3], $0xF7A  }
0x26: {  	[smem:$0x3F9B] =	sst s1;
	(tag) =	ssettag s2;
	_ =	strace s9  }
0x27: {  	s1 =	sld [smem:$0x3FAB]  }
0x28: {  	s2 =	sld [smem:$0x3FAC]  }
0x29: {  	s4 =	sld [smem:$0x3FAE]  }
0x2a: {  	p0 =	seq.s32 s5, $0x0;
	s5 =	sld [smem:$0x3FAF]  }
0x2b: {  	s6 =	sld [smem:$0x3FB0]  }
0x2c: {  	s7 =	sld [smem:$0x3FB1]  }
0x2d: {  	s3 =	simm.s32 $0x108;
	s8 =	sld [smem:$0x3FB2]  }
0x2e: {  	s3 =	simm.s32 @!p0 $0x1082;
	s9 =	sld [smem:$0x3FB3]  }
0x2f: {  	lr =	sadd.s32 s0, s3;
	s0 =	sld [smem:$0x3FAA]  }
0x30: {  	s3 =	sld [smem:$0x3FAD]  }
0x31: {  	[smem:$0x3FB6] =	sst s10  }
0x32: {  	s10 =	sld [smem:$0x3FB4];
	_ =	sdelay $0x3  }
0x33: {  	p0 =	seq.s32 s10, $0x1;
	s10 =	sld [smem:$0x3FB6];
	_ =	sdelay $0x3  }
0x34: {  	[smem:$0x3FB6] =	sst s10  }
0x35: {  	s10 =	sld [smem:$0x3FB5];
	_ =	sdelay $0x3  }
0x36: {  	p1 =	seq.s32 s10, $0x1;
	s10 =	sld [smem:$0x3FB6];
	_ =	sdelay $0x3  }
0x37: {  	[smem:$0x3FB6] =	sst s10  }
0x38: {  	s10 =	sld [smem:$0x3FB7]  }
0x39: {  	_ = 	snop;
	(pc) =	sbr.ind lr, $3  }
0x3a: {  	_ = 	snop  }
0x3b: {  	_ = 	snop  }
0x3c: {  	p2 =	seq.s32 s10, $0x1;
	s10 =	sld [smem:$0x3FB6]  }
0x3d: {  	_ =	shalt  }
0x3e: {  	_ =	shalt  }
0x3f: {  	_ =	shalt  }
0x40: {  	_ =	shalt  }
0x41: {  	_ =	shalt  }
0x42: {  	_ =	shalt  }
0x43: {  	_ =	shalt  }
0x44: {  	_ =	shalt  }
0x45: {  	_ =	shalt  }
0x46: {  	_ =	shalt  }
0x47: {  	_ =	shalt  }
0x48: {  	_ =	shalt  }
0x49: {  	_ =	shalt  }
0x4a: {  	_ =	shalt  }
0x4b: {  	_ =	shalt  }
0x4c: {  	_ =	shalt  }
0x4d: {  	_ =	shalt  }
0x4e: {  	_ =	shalt  }
0x4f: {  	_ =	shalt  }
0x50: {  	_ =	shalt  }
0x51: {  	_ =	shalt  }
0x52: {  	_ =	shalt  }
0x53: {  	_ =	shalt  }
0x54: {  	_ =	shalt  }
0x55: {  	_ =	shalt  }
0x56: {  	_ =	shalt  }
0x57: {  	_ =	shalt  }
0x58: {  	_ =	shalt  }
0x59: {  	_ =	shalt  }
0x5a: {  	_ =	shalt  }
0x5b: {  	_ =	shalt  }
0x5c: {  	_ =	shalt  }
0x5d: {  	_ =	shalt  }
0x5e: {  	_ =	shalt  }
0x5f: {  	_ =	shalt  }
0x60: {  	_ =	shalt  }
0x61: {  	_ =	shalt  }
0x62: {  	_ =	shalt  }
0x63: {  	_ =	shalt  }
0x64: {  	_ =	shalt  }
0x65: {  	_ =	shalt  }
0x66: {  	_ =	shalt  }
0x67: {  	_ =	shalt  }
0x68: {  	_ =	shalt  }
0x69: {  	_ =	shalt  }
0x6a: {  	_ =	shalt  }
0x6b: {  	_ =	shalt  }
0x6c: {  	_ =	shalt  }
0x6d: {  	_ =	shalt  }
0x6e: {  	_ =	shalt  }
0x6f: {  	_ =	shalt  }
0x70: {  	_ =	shalt  }
0x71: {  	_ =	shalt  }
0x72: {  	_ =	shalt  }
0x73: {  	_ =	shalt  }
0x74: {  	_ =	shalt  }
0x75: {  	_ =	shalt  }
0x76: {  	_ =	shalt  }
0x77: {  	_ =	shalt  }
0x78: {  	_ =	shalt  }
0x79: {  	_ =	shalt  }
0x7a: {  	_ =	shalt  }
0x7b: {  	_ =	shalt  }
0x7c: {  	_ =	shalt  }
0x7d: {  	_ =	shalt  }
0x7e: {  	_ =	shalt  }
0x7f: {  	_ =	shalt  }
0x80: {  	_ =	shalt  }
0x81: {  	_ =	shalt  }
0x82: {  	_ =	shalt  }
0x83: {  	_ =	shalt  }
0x84: {  	_ =	shalt  }
0x85: {  	_ =	shalt  }
0x86: {  	_ =	shalt  }
0x87: {  	_ =	shalt  }
.Lfunc_end0:
.L_simem_size_0:
called_computation_lowered:
.L_overlay_start_0:
0x88: {  	s2 =	sld [smem:$0x3FD9]  }
0x89: {  	s3 =	sld [smem:$0x3FFE];
	_ =	sdelay $0x1  }
0x8a: {  	s1 =	srdreg.scid  }
0x8b: {  	s0 =	sand.u32 $0x1, s1  }
0x8c: {  	s17 =	sshll.u32 s0, $0xA;
	s2 =	sadd.s32 s3, s2  }
0x8d: {  	s2 =	sadd.s32 s2, s17  }
0x8e: {  	[smem:$0x3FC2] =	sst s2  }
0x8f: {  	_ = 	snop  }
0x90: {  	s2 =	sld [smem:$0x3FC8];
	(tm) =	ssettm $0x1  }
0x91: {  	s18 =	sld [smem:$0x3FFB];
	_ =	sdelay $0x3  }
0x92: {  	_ =	strace s18  }
0x93: {  	s3 =	sld [smem:$0x3FFC];
	_ =	sdelay $0x3  }
0x94: {  	_ =	strace s3  }
0x95: {  	s3 =	sld [smem:$0x3FFD];
	_ =	sdelay $0x3  }
0x96: {  	_ =	strace s3  }
0x97: {  	_ =	strace $0x8FFFFFFF  }
0x98: {  	s19 =	sld [smem:$0x3FDB];
	_ =	sdelay $0x1  }
0x99: {  	s4 =	simm.s32 $_scs_section_size  }
0x9a: {  	s5 =	simm.s32 $_size__tile_overlayer_lowered;
	s6 =	simm.s32 $_tile_overlayer_lowered  }
0x9b: {  	s22 =	simm.s32 $0x1BFF;
	s21 =	sshll.u32 s6, $0x1;
	s3 =	sadd.s32 s4, s19  }
0x9c: {  	s7 =	simm.s32 $0x0;
	s20 =	sshll.u32 s5, $0x1;
	s5 =	sadd.s32 s21, s3  }
0x9d: {  	[timem:s7], [sflag:s22] =	dma.local [hbm:s5], s20  }
0x9e: {  	_ =	swait.ge [sflag:s22], s20  }
0x9f: {  	s4 =	ssub.s32 $0x0, s20;
	[sflag:s22] =	ssyncset.done $0x0  }
0xa0: {  	[sflag:s22] =	ssyncadd.s32 s4;
	_ =	sdelay $0x1  }
0xa1: {  	s23 =	simm.s32 $0x1B8B  }
0xa2: {  	_ =	swait.ge [sflag:s23], $0x1  }
0xa3: {  	[sflag:s23] =	ssyncset.done $0x0  }
0xa4: {  	s25 =	simm.s32 $0x1B8E;
	s24 =	sld [smem:$0x3FFE];
	[sflag:s23] =	ssyncadd.s32 $0xFFFFFFFF  }
0xa5: {  	s26 =	simm.s32 $execute0_lowered;
	[smem:$0x3FD2] =	sst s25  }
0xa6: {  	s5 =	sshll.u32 s26, $0x1;
	_ =	strace $0x80000046;
	[dreg:$0x1] =	wrdreg $0xFFFFFFFF  }
0xa7: {  	s28 =	simm.s32 $_size_execute0_lowered;
	s3 =	sadd.s32 s3, s5;
	[dreg:$0x0] =	wrdreg $0x0  }
0xa8: {  	s5 =	sshll.u32 s28, $0x1;
	[dreg:$0x2] =	wrdreg s3  }
0xa9: {  	[dreg:$0x3] =	wrdreg s5  }
0xaa: {  	[dreg:$0x4] =	wrdreg $0xC0  }
0xab: {  	_ =	task [dreg:s7], $0x5FFFF  }
0xac: {  	[dreg:$0x1] =	wrdreg $0xFFFFFFFF  }
0xad: {  	[dreg:$0x0] =	wrdreg $0x60  }
0xae: {  	[dreg:$0x2] =	wrdreg s2  }
0xaf: {  	[dreg:$0x3] =	wrdreg s24  }
0xb0: {  	[dreg:$0x4] =	wrdreg $0x9  }
0xb1: {  	_ =	task.clear_ibuf [dreg:s7], $0x5FFFF;
	_ =	strace $0x90000046  }
0xb2: {  	s29 =	simm.s32 $0x9;
	_ =	strace $0x80000048  }
0xb3: {  	_ =	swait.ge [sflag:s29], $0x1  }
0xb4: {  	[sflag:s29] =	ssyncadd.s32 $0xFFFFFFFF  }
0xb5: {  	_ =	strace $0x90000048  }
0xb6: {  	_ =	sfence  }
0xb7: {  	s30 =	sld [smem:$0x0];
	_ =	sdelay $0x2  }
0xb8: {  	s31 =	sshll.u32 s1, $0xD;
	s1 =	sshrl.u32 s1, $0x2  }
0xb9: {  	s3 =	sand.u32 $0x4000, s31;
	s1 =	sadd.s32 s1, s30  }
0xba: {  	s0 =	sor.u32 s3, s0;
	s1 =	sshll.u32 s1, $0x11  }
0xbb: {  	s0 =	sor.u32 s1, s0  }
0xbc: {  	s0 =	sadd.s32 $0x8F2B, s0  }
0xbd: {  	[sflag:s0] =	ssyncadd.remote.s32 $0x1  }
0xbe: {  	_ =	sfence.sel $0xFFFF  }
0xbf: {  	[dreg:$0x0] =	wrdreg $0xFFFFFFFF;
	(pc) =	sbr.abs _section_cstart, $3  }
0xc0: {  	[dreg:$0x1] =	wrdreg $0xFFFFFFFF  }
0xc1: {  	_ =	task.clear_ibuf [dreg:s7], $0x2FFFF;
	_ =	strace $0x9FFFFFFF  }
0xc2: {  	(tm) =	ssettm $0x7FFFFFFF  }
0xc3: {  	_ =	shalt  }
tec
execute0_lowered:
.L_overlay_start_1:
0x0: {  	(tag) =	ssettag $0x1  }
0x1: {  	s4 =	rddreg [dreg:$0x0]  }
0x2: {  	s1 =	srdreg.scid;
	s0 =	stileid.u32  }
0x3: {  	s3 =	rddreg [dreg:$0x1];
	s9 =	simm.s32 $0x2;
	s10 =	simm.s32 $0x5200  }
0x4: {  	s12 =	simm.s32 $0x400;
	s13 =	simm.s32 $0x3;
	s14 =	simm.s32 $0x0  }
0x5: {  	s5 =	sand.u32 $0x1, s1;
	s2 =	sshll.u32 s0, $0x1;
	s1 =	rddreg [dreg:$0x2]  }
0x6: {  	s6 =	sshrl.u32 s0, $0x2;
	s11 =	sor.u32 s5, s2;
	s2 =	simm.s32 $0x0  }
0x7: {  	s6 =	smul.u32 $0x13C00, s6;
	s5 =	ssub.s32 $0x2, s5;
	s7 =	sshll.u32 s11, $0x7  }
0x8: {  	[smem:$0x7FF] =	sst s2;
	s31 =	smul.u32 $0x9C0, s11;
	s8 =	sshrl.u32 s5, $0x1  }
.Ltmp0:
0x9: {  	p0 =	sne.s32 s11, $0x1F;
	s7 =	sand.u32 $0x380, s7;
	(pc) =	sbr.rel .LBB2_1-.Ltmp0, $4  }
0xa: {  	s11 =	simm.s32 $0x80;
	_ =	strace $0x80000047;
	s6 =	sor.u32 s6, s7  }
0xb: {  	s8 =	ssub.s32 s5, s8;
	s7 =	simm.s32 $0x4E00;
	s6 =	sshrl.u32 s6, $0x3  }
0xc: {  	s6 =	sadd.s32 s6, s3;
	s3 =	sadd.s32 s4, s31;
	s4 =	sadd.s32 $0x13800, s4  }
0xd: {  	v0 =	vimm.f32 $0.0e+00;
	v1 =	vimm.f32 $1.000000000e+00;
	s5 =	sadd.s32 $0x2200, s6;
	s6 =	smax.u32 s8, $0x1;
	s8 =	simm.s32 $0x1  }
.LBB2_8:
0xe: {  	_ =	sdelay $0x3  }
0xf: {  	[tilespmem:v2+s10+$0x0] =	vst.idx.add.f32.msk $0xffff, v1  }
0x10: {  	[tilespmem:v3+s10+$0x0] =	vst.idx.add.f32.msk $0xffff, v1  }
0x11: {  	[tilespmem:v5+s10+$0x0] =	vst.idx.add.f32.msk $0xffff, v1  }
0x12: {  	[tilespmem:v4+s10+$0x0] =	vst.idx.add.f32.msk $0xffff, v1  }
.LBB2_9:
0x13: {  	s14 =	sadd.s32 $0x1, s14  }
0x14: {  	p1 =	sne.s32 s14, s6  }
.Ltmp1:
0x15: {  	_ = 	snop;
	(pc) =	sbr.rel @!p1 .LBB2_10-.Ltmp1, $4  }
0x16: {  	[hbm4b:s5+s11] =	stream.strided.scatter [tilespmem:s10], [sflag:$0x3], $0x2780, s12, s11, $0x38;
	[tilespmem:$0x7980] =	vst v63  }
0x17: {  	_ =	swait.ge [sflag:s13], $0x2780  }
0x18: {  	[sflag:s13] =	ssyncset.done $0x0  }
0x19: {  	[sflag:s13] =	ssyncadd.s32 $0xFFFFD880  }
.LBB2_1:
0x1a: {  	[tilespmem:s2], [sflag:$0x1] =	stream.linear.gather [hbm4b:s3+s2], $0x4E00, $0x38;
	[tilespmem:$0x7980] =	vst v63  }
0x1b: {  	s15 =	simm.s32 $0x5220  }
0x1c: {  	[tilespmem:s7], [sflag:$0x2] =	stream.linear.gather [hbm4b:s4+s2], $0x400, $0x38;
	[tilespmem:$0x7980] =	vst v63  }
0x1d: {  	[tilespmem:s15+$0xFFFFFFE0] =	vst v0  }
0x1e: {  	[tilespmem:s15+$0x10] =	vst v0  }
0x1f: {  	s16 =	simm.s32 $0x0;
	[tilespmem:s15+$0x0] =	vst v0  }
.LBB2_2:
0x20: {  	s16 =	sadd.s32 $0x4, s16  }
0x21: {  	[tilespmem:s15+$0xFFFFFFF0] =	vst v0;
	s15 =	sadd.s32 $0x40, s15;
	p1 =	slt.u32 s16, $0x26C  }
.Ltmp2:
0x22: {  	[tilespmem:s15+$0xFFFFFFE0] =	vst v0;
	(pc) =	sbr.rel @p1 .LBB2_2-.Ltmp2, $3  }
0x23: {  	_ =	sdelay $0x1  }
0x24: {  	[tilespmem:s15+$0x10] =	vst v0  }
0x25: {  	[tilespmem:s15+$0x0] =	vst v0  }
0x26: {  	[tilespmem:s15+$0xFFFFFFF0] =	vst v0  }
0x27: {  	[tilespmem:$0x7900] =	vst v0  }
0x28: {  	_ =	swait.ge [sflag:s8], $0x4E00  }
0x29: {  	[sflag:s8] =	ssyncset.done $0x0  }
0x2a: {  	[sflag:s8] =	ssyncadd.s32 $0xFFFFB200  }
0x2b: {  	s31 =	simm.s32 $0x0;
	_ =	swait.ge [sflag:s9], $0x400  }
0x2c: {  	s16 =	sand.u32 $0x40, s31;
	s15 =	sand.u32 $0x7F00, s31;
	[sflag:s9] =	ssyncset.done $0x0  }
0x2d: {  	s16 =	sor.u32 s16, s15;
	[sflag:s9] =	ssyncadd.s32 $0xFFFFFC00  }
0x2e: {  	v2 =	vld [tilespmem:s16+$0x30];
	_ =	sdelay $0x1  }
0x2f: {  	v5 =	vld [tilespmem:s16+$0x10]  }
0x30: {  	v4 =	vld [tilespmem:s16+$0x20];
	_ =	sdelay $0x1  }
0x31: {  	v3 =	vld [tilespmem:s16+$0x0]  }
0x32: {  	s17 =	simm.s32 $0x40;
	s15 =	simm.s32 $0x0;
	s16 =	simm.s32 $0x80  }
.LBB2_4:
0x33: {  	s18 =	sand.u32 $0x40, s17;
	s19 =	sand.u32 $0x7F00, s16;
	s15 =	sadd.s32 $0x4, s15;
	v6 =	vmov v5  }
0x34: {  	s18 =	sor.u32 s18, s19;
	p1 =	slt.u32 s15, $0x26C;
	[tilespmem:v2+s10+$0x0] =	vst.idx.add.f32.msk $0xffff, v1;
	v7 =	vmov v4  }
0x35: {  	v2 =	vld [tilespmem:s18+$0x30]  }
0x36: {  	v8 =	vld [tilespmem:s18+$0x0]  }
.Ltmp3:
0x37: {  	v5 =	vld [tilespmem:s18+$0x10];
	(pc) =	sbr.rel @p1 .LBB2_4-.Ltmp3, $4  }
0x38: {  	v4 =	vld [tilespmem:s18+$0x20]  }
0x39: {  	[tilespmem:v3+s10+$0x0] =	vst.idx.add.f32.msk $0xffff, v1  }
0x3a: {  	[tilespmem:v6+s10+$0x0] =	vst.idx.add.f32.msk $0xffff, v1  }
0x3b: {  	s16 =	sadd.s32 $0x80, s16;
	s17 =	sadd.s32 $0x40, s17;
	[tilespmem:v7+s10+$0x0] =	vst.idx.add.f32.msk $0xffff, v1;
	v3 =	vmov v8  }
0x3c: {  	_ =	sdelay $0x2  }
.Ltmp4:
0x3d: {  	_ = 	snop;
	(pc) =	sbr.rel @p0 .LBB2_9-.Ltmp4, $4  }
0x3e: {  	[tilespmem:v2+s10+$0x0] =	vst.idx.add.f32.msk $0xffff, v1  }
0x3f: {  	[tilespmem:v3+s10+$0x0] =	vst.idx.add.f32.msk $0xffff, v1  }
0x40: {  	[tilespmem:v5+s10+$0x0] =	vst.idx.add.f32.msk $0xffff, v1  }
0x41: {  	[tilespmem:v4+s10+$0x0] =	vst.idx.add.f32.msk $0xffff, v1  }
0x42: {  	s15 =	simm.s32 $0x0  }
0x43: {  	s16 =	sand.u32 $0x40, s15;
	s15 =	sand.u32 $0x300, s15  }
0x44: {  	s16 =	sor.u32 s16, s15  }
0x45: {  	v2 =	vld [tilespmem:s16+$0x4E30];
	_ =	sdelay $0x1  }
0x46: {  	v5 =	vld [tilespmem:s16+$0x4E10]  }
0x47: {  	v4 =	vld [tilespmem:s16+$0x4E20];
	_ =	sdelay $0x1  }
0x48: {  	v3 =	vld [tilespmem:s16+$0x4E00]  }
0x49: {  	s17 =	simm.s32 $0x40;
	s15 =	simm.s32 $0x0;
	s16 =	simm.s32 $0x80  }
.LBB2_7:
0x4a: {  	s18 =	sand.u32 $0x40, s17;
	s19 =	sand.u32 $0x300, s16;
	s15 =	sadd.s32 $0x4, s15;
	v6 =	vmov v5  }
0x4b: {  	v7 =	vmov v4;
	s18 =	sor.u32 s18, s19;
	p1 =	slt.u32 s15, $0x1C;
	[tilespmem:v2+s10+$0x0] =	vst.idx.add.f32.msk $0xffff, v1  }
0x4c: {  	v2 =	vld [tilespmem:s18+$0x4E30]  }
0x4d: {  	v8 =	vld [tilespmem:s18+$0x4E00]  }
.Ltmp5:
0x4e: {  	v5 =	vld [tilespmem:s18+$0x4E10];
	(pc) =	sbr.rel @p1 .LBB2_7-.Ltmp5, $4  }
0x4f: {  	v4 =	vld [tilespmem:s18+$0x4E20]  }
0x50: {  	[tilespmem:v3+s10+$0x0] =	vst.idx.add.f32.msk $0xffff, v1  }
0x51: {  	[tilespmem:v6+s10+$0x0] =	vst.idx.add.f32.msk $0xffff, v1  }
0x52: {  	s16 =	sadd.s32 $0x80, s16;
	s17 =	sadd.s32 $0x40, s17;
	[tilespmem:v7+s10+$0x0] =	vst.idx.add.f32.msk $0xffff, v1;
	v3 =	vmov v8  }
.Ltmp6:
0x53: {  	_ = 	snop;
	(pc) =	sbr.rel .LBB2_8-.Ltmp6, $1  }
0x54: {  	_ =	sdelay $0x3  }
.LBB2_10:
0x55: {  	_ =	sfence.sel $0x180000  }
0x56: {  	[bflag:$0x0] =	sbarrier.arrive $0xFFFF  }
0x57: {  	p0 =	sne.s32 s0, $0x0;
	_ =	strace $0x90000047  }
0x58: {  	s0 =	sadd.s32 @!p0 $0x100000, s1;
	[bflag:$0x2] =	sbarrier.arrive $0xFFFF  }
0x59: {  	[sflag:s0] =	ssyncadd.tile.s32 @!p0 $0x1;
	_ =	shalt  }
.Lfunc_end2:
_tile_overlayer_lowered:
.L_overlay_start_2:
0x5a: {  	(tag) =	ssettag $0x2  }
0x5b: {  	s0 =	rddreg [dreg:$0x0];
	s2 =	stileid.u32  }
0x5c: {  	s1 =	rddreg [dreg:$0x1];
	p0 =	sne.s32 s2, $0x0  }
0x5d: {  	s3 =	rddreg [dreg:$0x2];
	[bflag:$0x3] =	sbarrier.arrive $0xFFFF;
	s2 =	simm.s32 @!p0 $0x1C03  }
0x5e: {  	[timem:s3], [sflag:s2] =	dma.local @!p0 [hbm:s0], s1  }
0x5f: {  	s0 =	simm.s32 @!p0 $0x3  }
0x60: {  	_ =	swait.ge @!p0 [sflag:s0], s1  }
0x61: {  	s1 =	ssub.s32 @!p0 $0x0, s1;
	[sflag:s0] =	ssyncset.done @!p0 $0x0  }
0x62: {  	[sflag:s0] =	ssyncadd.s32 @!p0 s1  }
0x63: {  	[bflag:$0x3] =	sbarrier.arrive $0xFFFF  }
0x64: {  	_ =	shalt  }

// kernel: kernel.9.cloned.1.call-start
scs
__scs_entry_jumppad:
0x0: {  	(pc) =	sbr.rel $0x88, $3  }
0x1: {  	(tag) =	ssettag $0x0;
	lr =	simm.s32 $0x1  }
0x2: {  	[smem:$0x3F9B] =	sst lr;
	_ =	strace $0xD0000000  }
0x3: {  	_ = 	snop  }
0x4: {  	_ = 	snop  }
0x5: {  	_ = 	snop  }
0x6: {  	_ = 	snop  }
0x7: {  	_ = 	snop  }
__scs_overlays_trampoline_lowered:
0x8: {  	[smem:$0x3FAA] =	sst s0  }
0x9: {  	[smem:$0x3FAB] =	sst s1  }
0xa: {  	[smem:$0x3FAC] =	sst s2  }
0xb: {  	[smem:$0x3FAD] =	sst s3  }
0xc: {  	[smem:$0x3FAE] =	sst s4  }
0xd: {  	[smem:$0x3FAF] =	sst s5  }
0xe: {  	[smem:$0x3FB0] =	sst s6  }
0xf: {  	[smem:$0x3FB1] =	sst s7  }
0x10: {  	[smem:$0x3FB2] =	sst s8  }
0x11: {  	[smem:$0x3FB3] =	sst s9;
	s0 =	simm.s32 @!p0 $0x0  }
0x12: {  	s1 =	sld [smem:$0x3F99];
	s0 =	simm.s32 @p0 $0x1  }
0x13: {  	[smem:$0x3FB4] =	sst s0;
	s0 =	simm.s32 @!p1 $0x0  }
0x14: {  	s2 =	sld [smem:$0x3F98];
	s0 =	simm.s32 @p1 $0x1  }
0x15: {  	[smem:$0x3FB5] =	sst s0;
	s0 =	simm.s32 @!p2 $0x0  }
0x16: {  	s3 =	sld [smem:$0x3FDB];
	s0 =	simm.s32 @p2 $0x1  }
0x17: {  	s4 =	simm.s32 $0x1BF5;
	[smem:$0x3FB7] =	sst s0  }
0x18: {  	s0 =	sld [smem:$0x3F9A];
	_ =	swait.ge [sflag:s4], $0x0  }
0x19: {  	s7 =	sld [smem:$0x3F9B]  }
0x1a: {  	s8 =	sadd.s32 $0xFFFFE003, lr  }
0x1b: {  	s9 =	sadd.s32 $0xFFFFFEF7, lr;
	s5 =	simm.s32 $0xFFFFFFFF;
	p2 =	slt.u32 s8, $0xFFFFF086  }
0x1c: {  	p1 =	slt.u32 s9, $0xF7A;
	s5 =	simm.s32 @!p2 $0x0  }
0x1d: {  	s5 =	simm.s32 @p1 $0x1;
	p0 =	seq.s32 s7, s2  }
0x1e: {  	s7 =	smul.u32 @!p0 $0xF7A, s2;
	p2 =	seq.s32 @!p0 s5, $0x0  }
0x1f: {  	s9 =	smul.u32 $0xF7A, s1;
	s8 =	simm.s32 @!p0 $0x1BF5;
	p2 =	por !p2, p0  }
0x20: {  	[sflag:s8] =	ssyncset.s32 @!p0 $0xFFFFF086;
	s6 =	sadd.s32 @!p0 s3, s7;
	s7 =	simm.s32 @!p0 $0x108  }
0x21: {  	s3 =	sadd.s32 s3, s9;
	s6 =	sadd.s32 @!p0 $0x88, s6;
	s7 =	simm.s32 @p2 $0x1082  }
0x22: {  	[simem:s7], [sflag:s8] =	dma.local @!p0 [hbm:s6], $0xF7A  }
0x23: {  	s9 =	sor.u32 $0xD0000000, s2;
	s6 =	simm.s32 $0x108;
	_ =	swait.ge @!p0 [sflag:s8], $0x0  }
0x24: {  	s3 =	sadd.s32 $0x88, s3;
	s6 =	simm.s32 @!p1 $0x1082;
	[sflag:s4] =	ssyncset.s32 $0xFFFFF086  }
0x25: {  	[simem:s6], [sflag:s4] =	dma.local [hbm:s3], $0xF7A  }
0x26: {  	[smem:$0x3F9B] =	sst s1;
	(tag) =	ssettag s2;
	_ =	strace s9  }
0x27: {  	s1 =	sld [smem:$0x3FAB]  }
0x28: {  	s2 =	sld [smem:$0x3FAC]  }
0x29: {  	s4 =	sld [smem:$0x3FAE]  }
0x2a: {  	p0 =	seq.s32 s5, $0x0;
	s5 =	sld [smem:$0x3FAF]  }
0x2b: {  	s6 =	sld [smem:$0x3FB0]  }
0x2c: {  	s7 =	sld [smem:$0x3FB1]  }
0x2d: {  	s3 =	simm.s32 $0x108;
	s8 =	sld [smem:$0x3FB2]  }
0x2e: {  	s3 =	simm.s32 @!p0 $0x1082;
	s9 =	sld [smem:$0x3FB3]  }
0x2f: {  	lr =	sadd.s32 s0, s3;
	s0 =	sld [smem:$0x3FAA]  }
0x30: {  	s3 =	sld [smem:$0x3FAD]  }
0x31: {  	[smem:$0x3FB6] =	sst s10  }
0x32: {  	s10 =	sld [smem:$0x3FB4];
	_ =	sdelay $0x3  }
0x33: {  	p0 =	seq.s32 s10, $0x1;
	s10 =	sld [smem:$0x3FB6];
	_ =	sdelay $0x3  }
0x34: {  	[smem:$0x3FB6] =	sst s10  }
0x35: {  	s10 =	sld [smem:$0x3FB5];
	_ =	sdelay $0x3  }
0x36: {  	p1 =	seq.s32 s10, $0x1;
	s10 =	sld [smem:$0x3FB6];
	_ =	sdelay $0x3  }
0x37: {  	[smem:$0x3FB6] =	sst s10  }
0x38: {  	s10 =	sld [smem:$0x3FB7]  }
0x39: {  	_ = 	snop;
	(pc) =	sbr.ind lr, $3  }
0x3a: {  	_ = 	snop  }
0x3b: {  	_ = 	snop  }
0x3c: {  	p2 =	seq.s32 s10, $0x1;
	s10 =	sld [smem:$0x3FB6]  }
0x3d: {  	_ =	shalt  }
0x3e: {  	_ =	shalt  }
0x3f: {  	_ =	shalt  }
0x40: {  	_ =	shalt  }
0x41: {  	_ =	shalt  }
0x42: {  	_ =	shalt  }
0x43: {  	_ =	shalt  }
0x44: {  	_ =	shalt  }
0x45: {  	_ =	shalt  }
0x46: {  	_ =	shalt  }
0x47: {  	_ =	shalt  }
0x48: {  	_ =	shalt  }
0x49: {  	_ =	shalt  }
0x4a: {  	_ =	shalt  }
0x4b: {  	_ =	shalt  }
0x4c: {  	_ =	shalt  }
0x4d: {  	_ =	shalt  }
0x4e: {  	_ =	shalt  }
0x4f: {  	_ =	shalt  }
0x50: {  	_ =	shalt  }
0x51: {  	_ =	shalt  }
0x52: {  	_ =	shalt  }
0x53: {  	_ =	shalt  }
0x54: {  	_ =	shalt  }
0x55: {  	_ =	shalt  }
0x56: {  	_ =	shalt  }
0x57: {  	_ =	shalt  }
0x58: {  	_ =	shalt  }
0x59: {  	_ =	shalt  }
0x5a: {  	_ =	shalt  }
0x5b: {  	_ =	shalt  }
0x5c: {  	_ =	shalt  }
0x5d: {  	_ =	shalt  }
0x5e: {  	_ =	shalt  }
0x5f: {  	_ =	shalt  }
0x60: {  	_ =	shalt  }
0x61: {  	_ =	shalt  }
0x62: {  	_ =	shalt  }
0x63: {  	_ =	shalt  }
0x64: {  	_ =	shalt  }
0x65: {  	_ =	shalt  }
0x66: {  	_ =	shalt  }
0x67: {  	_ =	shalt  }
0x68: {  	_ =	shalt  }
0x69: {  	_ =	shalt  }
0x6a: {  	_ =	shalt  }
0x6b: {  	_ =	shalt  }
0x6c: {  	_ =	shalt  }
0x6d: {  	_ =	shalt  }
0x6e: {  	_ =	shalt  }
0x6f: {  	_ =	shalt  }
0x70: {  	_ =	shalt  }
0x71: {  	_ =	shalt  }
0x72: {  	_ =	shalt  }
0x73: {  	_ =	shalt  }
0x74: {  	_ =	shalt  }
0x75: {  	_ =	shalt  }
0x76: {  	_ =	shalt  }
0x77: {  	_ =	shalt  }
0x78: {  	_ =	shalt  }
0x79: {  	_ =	shalt  }
0x7a: {  	_ =	shalt  }
0x7b: {  	_ =	shalt  }
0x7c: {  	_ =	shalt  }
0x7d: {  	_ =	shalt  }
0x7e: {  	_ =	shalt  }
0x7f: {  	_ =	shalt  }
0x80: {  	_ =	shalt  }
0x81: {  	_ =	shalt  }
0x82: {  	_ =	shalt  }
0x83: {  	_ =	shalt  }
0x84: {  	_ =	shalt  }
0x85: {  	_ =	shalt  }
0x86: {  	_ =	shalt  }
0x87: {  	_ =	shalt  }
.Lfunc_end0:
.L_simem_size_0:
called_computation.1_lowered:
.L_overlay_start_0:
0x88: {  	s2 =	sld [smem:$0x3FD9]  }
0x89: {  	s3 =	sld [smem:$0x3FFE];
	_ =	sdelay $0x1  }
0x8a: {  	s1 =	srdreg.scid  }
0x8b: {  	s0 =	sand.u32 $0x1, s1  }
0x8c: {  	s17 =	sshll.u32 s0, $0xA;
	s2 =	sadd.s32 s3, s2  }
0x8d: {  	s2 =	sadd.s32 s2, s17  }
0x8e: {  	[smem:$0x3FC2] =	sst s2  }
0x8f: {  	_ = 	snop  }
0x90: {  	s2 =	sld [smem:$0x3FC8];
	(tm) =	ssettm $0x1  }
0x91: {  	s18 =	sld [smem:$0x3FFB];
	_ =	sdelay $0x3  }
0x92: {  	_ =	strace s18  }
0x93: {  	s3 =	sld [smem:$0x3FFC];
	_ =	sdelay $0x3  }
0x94: {  	_ =	strace s3  }
0x95: {  	s3 =	sld [smem:$0x3FFD];
	_ =	sdelay $0x3  }
0x96: {  	_ =	strace s3  }
0x97: {  	_ =	strace $0x8FFFFFFF  }
0x98: {  	s19 =	sld [smem:$0x3FDB];
	_ =	sdelay $0x1  }
0x99: {  	s4 =	simm.s32 $_scs_section_size  }
0x9a: {  	s5 =	simm.s32 $_size__tile_overlayer_lowered;
	s6 =	simm.s32 $_tile_overlayer_lowered  }
0x9b: {  	s22 =	simm.s32 $0x1BFF;
	s21 =	sshll.u32 s6, $0x1;
	s3 =	sadd.s32 s4, s19  }
0x9c: {  	s7 =	simm.s32 $0x0;
	s20 =	sshll.u32 s5, $0x1;
	s5 =	sadd.s32 s21, s3  }
0x9d: {  	[timem:s7], [sflag:s22] =	dma.local [hbm:s5], s20  }
0x9e: {  	_ =	swait.ge [sflag:s22], s20  }
0x9f: {  	s4 =	ssub.s32 $0x0, s20;
	[sflag:s22] =	ssyncset.done $0x0  }
0xa0: {  	[sflag:s22] =	ssyncadd.s32 s4;
	_ =	sdelay $0x1  }
0xa1: {  	s23 =	simm.s32 $0x1B8B  }
0xa2: {  	_ =	swait.ge [sflag:s23], $0x1  }
0xa3: {  	[sflag:s23] =	ssyncset.done $0x0  }
0xa4: {  	s25 =	simm.s32 $0x1B8E;
	s24 =	sld [smem:$0x3FFE];
	[sflag:s23] =	ssyncadd.s32 $0xFFFFFFFF  }
0xa5: {  	s26 =	simm.s32 $execute0_lowered;
	[smem:$0x3FD2] =	sst s25  }
0xa6: {  	s5 =	sshll.u32 s26, $0x1;
	_ =	strace $0x80000049;
	[dreg:$0x1] =	wrdreg $0xFFFFFFFF  }
0xa7: {  	s28 =	simm.s32 $_size_execute0_lowered;
	s3 =	sadd.s32 s3, s5;
	[dreg:$0x0] =	wrdreg $0x0  }
0xa8: {  	s5 =	sshll.u32 s28, $0x1;
	[dreg:$0x2] =	wrdreg s3  }
0xa9: {  	[dreg:$0x3] =	wrdreg s5  }
0xaa: {  	[dreg:$0x4] =	wrdreg $0xC0  }
0xab: {  	_ =	task [dreg:s7], $0x5FFFF  }
0xac: {  	[dreg:$0x1] =	wrdreg $0xFFFFFFFF  }
0xad: {  	[dreg:$0x0] =	wrdreg $0x60  }
0xae: {  	[dreg:$0x2] =	wrdreg s2  }
0xaf: {  	[dreg:$0x3] =	wrdreg s24  }
0xb0: {  	[dreg:$0x4] =	wrdreg $0x9  }
0xb1: {  	_ =	task.clear_ibuf [dreg:s7], $0x5FFFF;
	_ =	strace $0x90000049  }
0xb2: {  	s29 =	simm.s32 $0x9;
	_ =	strace $0x8000004B  }
0xb3: {  	_ =	swait.ge [sflag:s29], $0x1  }
0xb4: {  	[sflag:s29] =	ssyncadd.s32 $0xFFFFFFFF  }
0xb5: {  	_ =	strace $0x9000004B  }
0xb6: {  	_ =	sfence  }
0xb7: {  	s30 =	sld [smem:$0x0];
	_ =	sdelay $0x2  }
0xb8: {  	s31 =	sshll.u32 s1, $0xD;
	s1 =	sshrl.u32 s1, $0x2  }
0xb9: {  	s3 =	sand.u32 $0x4000, s31;
	s1 =	sadd.s32 s1, s30  }
0xba: {  	s0 =	sor.u32 s3, s0;
	s1 =	sshll.u32 s1, $0x11  }
0xbb: {  	s0 =	sor.u32 s1, s0  }
0xbc: {  	s0 =	sadd.s32 $0x8F2B, s0  }
0xbd: {  	[sflag:s0] =	ssyncadd.remote.s32 $0x1  }
0xbe: {  	_ =	sfence.sel $0xFFFF  }
0xbf: {  	[dreg:$0x0] =	wrdreg $0xFFFFFFFF;
	(pc) =	sbr.abs _section_cstart, $3  }
0xc0: {  	[dreg:$0x1] =	wrdreg $0xFFFFFFFF  }
0xc1: {  	_ =	task.clear_ibuf [dreg:s7], $0x2FFFF;
	_ =	strace $0x9FFFFFFF  }
0xc2: {  	(tm) =	ssettm $0x7FFFFFFF  }
0xc3: {  	_ =	shalt  }
tec
execute0_lowered:
.L_overlay_start_1:
0x0: {  	(tag) =	ssettag $0x1  }
0x1: {  	s5 =	rddreg [dreg:$0x0]  }
0x2: {  	s1 =	srdreg.scid;
	s0 =	stileid.u32  }
0x3: {  	s4 =	rddreg [dreg:$0x1];
	s10 =	simm.s32 $0x1;
	s11 =	simm.s32 $0x2  }
0x4: {  	s12 =	simm.s32 $0x3;
	s13 =	simm.s32 $0x7980;
	s15 =	simm.s32 $0x400  }
0x5: {  	s16 =	simm.s32 $0x4;
	s17 =	simm.s32 $0x0;
	s3 =	sand.u32 $0x1, s1  }
0x6: {  	s2 =	sshll.u32 s0, $0x1;
	s1 =	rddreg [dreg:$0x2];
	s6 =	sshrl.u32 s0, $0x2  }
0x7: {  	s14 =	sor.u32 s3, s2;
	s2 =	simm.s32 $0x0;
	s6 =	smul.u32 $0x13C00, s6  }
0x8: {  	s31 =	ssub.s32 $0x2, s3;
	s3 =	sadd.s32 $0x2200, s4;
	s7 =	sshll.u32 s14, $0x7  }
0x9: {  	[smem:$0x7FF] =	sst s2;
	s8 =	sshrl.u32 s31, $0x1;
	s9 =	smul.u32 $0x9C0, s14  }
.Ltmp0:
0xa: {  	p0 =	sne.s32 s14, $0x1F;
	s7 =	sand.u32 $0x380, s7;
	(pc) =	sbr.rel .LBB2_1-.Ltmp0, $4  }
0xb: {  	s14 =	simm.s32 $0x80;
	_ =	strace $0x8000004A;
	s6 =	sor.u32 s6, s7  }
0xc: {  	s7 =	ssub.s32 s31, s8;
	s8 =	simm.s32 $0x4E00;
	s6 =	sshrl.u32 s6, $0x3  }
0xd: {  	s7 =	smax.u32 s7, $0x1;
	s6 =	sadd.s32 s6, s4;
	s4 =	sadd.s32 s5, s9  }
0xe: {  	v0 =	vimm.f32 $0.0e+00;
	s5 =	sadd.s32 $0x13800, s5;
	s9 =	simm.s32 $0x5200;
	s6 =	sadd.s32 $0x2800, s6  }
.LBB2_8:
0xf: {  	_ =	sdelay $0x3  }
0x10: {  	[tilespmem:v7+s13+$0x0] =	vst.idx.add.f32.msk $0xffff, v10  }
0x11: {  	[tilespmem:v2+s13+$0x0] =	vst.idx.add.f32.msk $0xffff, v1  }
0x12: {  	[tilespmem:v3+s13+$0x0] =	vst.idx.add.f32.msk $0xffff, v5  }
0x13: {  	[tilespmem:v6+s13+$0x0] =	vst.idx.add.f32.msk $0xffff, v4  }
0x14: {  	[tilespmem:v9+s13+$0x0] =	vst.idx.add.f32.msk $0xffff, v8  }
.LBB2_9:
0x15: {  	s17 =	sadd.s32 $0x1, s17  }
0x16: {  	p1 =	sne.s32 s17, s7  }
.Ltmp1:
0x17: {  	_ = 	snop;
	(pc) =	sbr.rel @!p1 .LBB2_10-.Ltmp1, $4  }
0x18: {  	[hbm4b:s6+s14] =	stream.strided.scatter [tilespmem:s13], [sflag:$0x4], $0x2780, s15, s14, $0x38;
	[tilespmem:$0xA100] =	vst v63  }
0x19: {  	_ =	swait.ge [sflag:s16], $0x2780  }
0x1a: {  	[sflag:s16] =	ssyncset.done $0x0  }
0x1b: {  	[sflag:s16] =	ssyncadd.s32 $0xFFFFD880  }
.LBB2_1:
0x1c: {  	[tilespmem:s2], [sflag:$0x1] =	stream.linear.gather [hbm4b:s4+s2], $0x4E00, $0x38;
	[tilespmem:$0xA100] =	vst v63  }
0x1d: {  	_ = 	snop  }
0x1e: {  	[tilespmem:s8], [sflag:$0x2] =	stream.linear.gather [hbm4b:s5+s2], $0x400, $0x38;
	[tilespmem:$0xA100] =	vst v63  }
0x1f: {  	s18 =	simm.s32 $0x79A0  }
0x20: {  	[tilespmem:s9], [sflag:$0x3] =	stream.linear.gather [hbm4b:s3+s2], $0x2780, $0x38;
	[tilespmem:$0xA100] =	vst v63  }
0x21: {  	[tilespmem:s18+$0xFFFFFFE0] =	vst v0  }
0x22: {  	[tilespmem:s18+$0x10] =	vst v0  }
0x23: {  	s19 =	simm.s32 $0x0;
	[tilespmem:s18+$0x0] =	vst v0  }
.LBB2_2:
0x24: {  	s19 =	sadd.s32 $0x4, s19  }
0x25: {  	[tilespmem:s18+$0xFFFFFFF0] =	vst v0;
	s18 =	sadd.s32 $0x40, s18;
	p1 =	slt.u32 s19, $0x26C  }
.Ltmp2:
0x26: {  	[tilespmem:s18+$0xFFFFFFE0] =	vst v0;
	(pc) =	sbr.rel @p1 .LBB2_2-.Ltmp2, $3  }
0x27: {  	_ =	sdelay $0x1  }
0x28: {  	[tilespmem:s18+$0x10] =	vst v0  }
0x29: {  	[tilespmem:s18+$0x0] =	vst v0  }
0x2a: {  	[tilespmem:s18+$0xFFFFFFF0] =	vst v0  }
0x2b: {  	[tilespmem:$0xA080] =	vst v0  }
0x2c: {  	_ =	swait.ge [sflag:s10], $0x4E00  }
0x2d: {  	[sflag:s10] =	ssyncset.done $0x0  }
0x2e: {  	[sflag:s10] =	ssyncadd.s32 $0xFFFFB200  }
0x2f: {  	_ =	swait.ge [sflag:s11], $0x400  }
0x30: {  	[sflag:s11] =	ssyncset.done $0x0  }
0x31: {  	[sflag:s11] =	ssyncadd.s32 $0xFFFFFC00  }
0x32: {  	s22 =	simm.s32 $0x0;
	_ =	swait.ge [sflag:s12], $0x2780  }
0x33: {  	s19 =	sand.u32 $0x40, s22;
	s18 =	sand.u32 $0x7F00, s22;
	[sflag:s12] =	ssyncset.done $0x0  }
0x34: {  	s18 =	sor.u32 s19, s18;
	[sflag:s12] =	ssyncadd.s32 $0xFFFFD880  }
0x35: {  	p1 =	por $0x0, $0x0;
	s19 =	simm.s32 $0x1;
	v1 =	vld [tilespmem:s18+$0x30]  }
0x36: {  	s19 =	simm.s32 @!p1 $0x0;
	v2 =	vld [tilespmem:s18+$0x0]  }
0x37: {  	s19 =	sshll.u32 s19, $0x6;
	v3 =	vld [tilespmem:s18+$0x10]  }
0x38: {  	s19 =	sadd.s32 $0x0, s19;
	v4 =	vld [tilespmem:s18+$0x20]  }
0x39: {  	s20 =	sadd.s32 $0x10, s19  }
0x3a: {  	s23 =	sadd.s32 $0x30, s19;
	s20 =	sor.u32 $0x80, s20  }
0x3b: {  	s18 =	sor.u32 $0x80, s23;
	v6 =	vld [tilespmem:s20+$0x0]  }
0x3c: {  	v5 =	vld [tilespmem:s18+$0x0]  }
0x3d: {  	v7 =	vld.idx.msk [tilespmem:v1+s9+$0x0], $0xffff  }
0x3e: {  	v8 =	vld.idx.msk [tilespmem:v2+s9+$0x0], $0xffff  }
0x3f: {  	s25 =	simm.s32 $0x80;
	v3 =	vld.idx.msk [tilespmem:v3+s9+$0x0], $0xffff  }
0x40: {  	s26 =	simm.s32 $0x40;
	s24 =	sadd.s32 $0x20, s19;
	s19 =	sor.u32 $0x80, s19;
	v1 =	vld.idx.msk [tilespmem:v4+s9+$0x0], $0xffff  }
0x41: {  	s28 =	sand.u32 $0x40, s26;
	s18 =	sor.u32 $0x80, s24;
	v4 =	vld [tilespmem:s19+$0x0];
	s19 =	sand.u32 $0x7F00, s25  }
0x42: {  	v2 =	vld [tilespmem:s18+$0x0];
	s18 =	sor.u32 s28, s19  }
0x43: {  	p1 =	por !p1, !p1;
	s19 =	simm.s32 $0x1;
	v9 =	vld [tilespmem:s18+$0x0]  }
0x44: {  	s19 =	simm.s32 @!p1 $0x0;
	[tilespmem:v5+s13+$0x0] =	vst.idx.add.f32.msk $0xffff, v7  }
0x45: {  	s19 =	sshll.u32 s19, $0x6;
	v5 =	vld [tilespmem:s18+$0x30]  }
0x46: {  	v11 =	vld [tilespmem:s18+$0x10];
	s19 =	sadd.s32 $0x80, s19  }
0x47: {  	v12 =	vld [tilespmem:s18+$0x20];
	s29 =	sadd.s32 $0x30, s19  }
0x48: {  	[tilespmem:v6+s13+$0x0] =	vst.idx.add.f32.msk $0xffff, v3;
	s30 =	sadd.s32 $0x10, s19;
	s31 =	sadd.s32 $0x20, s19;
	s19 =	sor.u32 $0x80, s19  }
0x49: {  	s18 =	sor.u32 $0x80, s29;
	v6 =	vld [tilespmem:s19+$0x0]  }
0x4a: {  	s20 =	sor.u32 $0x80, s30;
	v7 =	vld [tilespmem:s18+$0x0]  }
0x4b: {  	v3 =	vld [tilespmem:s20+$0x0]  }
0x4c: {  	[tilespmem:v4+s13+$0x0] =	vst.idx.add.f32.msk $0xffff, v8  }
0x4d: {  	v10 =	vld.idx.msk [tilespmem:v5+s9+$0x0], $0xffff  }
0x4e: {  	v4 =	vld.idx.msk [tilespmem:v9+s9+$0x0], $0xffff  }
0x4f: {  	s18 =	sor.u32 $0x80, s31;
	v8 =	vld.idx.msk [tilespmem:v12+s9+$0x0], $0xffff  }
0x50: {  	v9 =	vld [tilespmem:s18+$0x0]  }
0x51: {  	s19 =	simm.s32 $0x100;
	s20 =	simm.s32 $0x80;
	s18 =	simm.s32 $0x4;
	v5 =	vld.idx.msk [tilespmem:v11+s9+$0x0], $0xffff  }
.LBB2_4:
0x52: {  	s21 =	sand.u32 $0x40, s20;
	s22 =	sand.u32 $0x7F00, s19;
	s18 =	sadd.s32 $0x4, s18;
	[tilespmem:v7+s13+$0x0] =	vst.idx.add.f32.msk $0xffff, v10  }
0x53: {  	s21 =	sor.u32 s21, s22;
	p2 =	slt.u32 s18, $0x26C;
	[tilespmem:v2+s13+$0x0] =	vst.idx.add.f32.msk $0xffff, v1  }
0x54: {  	p1 =	por !p1, !p1;
	s22 =	simm.s32 $0x1;
	v10 =	vld [tilespmem:s21+$0x30]  }
0x55: {  	s22 =	simm.s32 @!p1 $0x0;
	v1 =	vmov v8;
	v11 =	vld [tilespmem:s21+$0x0];
	v2 =	vmov v9  }
0x56: {  	s22 =	sshll.u32 s22, $0x6;
	v8 =	vld [tilespmem:s21+$0x10]  }
0x57: {  	s22 =	sadd.s32 s22, s19;
	v9 =	vld [tilespmem:s21+$0x20]  }
0x58: {  	s21 =	sadd.s32 $0x10, s22;
	s23 =	sadd.s32 $0x20, s22;
	s24 =	sadd.s32 $0x30, s22;
	[tilespmem:v3+s13+$0x0] =	vst.idx.add.f32.msk $0xffff, v5  }
0x59: {  	s21 =	sor.u32 $0x80, s21;
	s23 =	sor.u32 $0x80, s23;
	s24 =	sor.u32 $0x80, s24;
	[tilespmem:v6+s13+$0x0] =	vst.idx.add.f32.msk $0xffff, v4  }
0x5a: {  	s22 =	sor.u32 $0x80, s22;
	v7 =	vld [tilespmem:s24+$0x0]  }
0x5b: {  	v3 =	vld [tilespmem:s21+$0x0]  }
0x5c: {  	v10 =	vld.idx.msk [tilespmem:v10+s9+$0x0], $0xffff  }
.Ltmp3:
0x5d: {  	v4 =	vld.idx.msk [tilespmem:v11+s9+$0x0], $0xffff;
	(pc) =	sbr.rel @p2 .LBB2_4-.Ltmp3, $4  }
0x5e: {  	v5 =	vld.idx.msk [tilespmem:v8+s9+$0x0], $0xffff  }
0x5f: {  	v8 =	vld.idx.msk [tilespmem:v9+s9+$0x0], $0xffff  }
0x60: {  	v9 =	vld [tilespmem:s23+$0x0]  }
0x61: {  	s20 =	sadd.s32 $0x40, s20;
	s19 =	sadd.s32 $0x80, s19;
	v6 =	vld [tilespmem:s22+$0x0]  }
0x62: {  	_ =	sdelay $0x3  }
.Ltmp4:
0x63: {  	[tilespmem:v7+s13+$0x0] =	vst.idx.add.f32.msk $0xffff, v10;
	(pc) =	sbr.rel @p0 .LBB2_9-.Ltmp4, $4  }
0x64: {  	[tilespmem:v2+s13+$0x0] =	vst.idx.add.f32.msk $0xffff, v1  }
0x65: {  	[tilespmem:v3+s13+$0x0] =	vst.idx.add.f32.msk $0xffff, v5  }
0x66: {  	[tilespmem:v9+s13+$0x0] =	vst.idx.add.f32.msk $0xffff, v8  }
0x67: {  	[tilespmem:v6+s13+$0x0] =	vst.idx.add.f32.msk $0xffff, v4  }
0x68: {  	s18 =	simm.s32 $0x0  }
0x69: {  	s19 =	sand.u32 $0x40, s18;
	s18 =	sand.u32 $0x300, s18  }
0x6a: {  	s18 =	sor.u32 s19, s18  }
0x6b: {  	p1 =	por $0x0, $0x0;
	s19 =	simm.s32 $0x1;
	v1 =	vld [tilespmem:s18+$0x4E30]  }
0x6c: {  	s19 =	simm.s32 @!p1 $0x0;
	v2 =	vld [tilespmem:s18+$0x4E00]  }
0x6d: {  	v3 =	vld [tilespmem:s18+$0x4E10];
	s19 =	sshll.u32 s19, $0x6  }
0x6e: {  	v4 =	vld [tilespmem:s18+$0x4E20];
	s19 =	sadd.s32 $0x0, s19  }
0x6f: {  	s23 =	sadd.s32 $0x30, s19  }
0x70: {  	s20 =	sadd.s32 $0x10, s19;
	s18 =	sor.u32 $0x80, s23  }
0x71: {  	s20 =	sor.u32 $0x80, s20;
	v5 =	vld [tilespmem:s18+$0x4E00]  }
0x72: {  	v6 =	vld [tilespmem:s20+$0x4E00]  }
0x73: {  	v7 =	vld.idx.msk [tilespmem:v1+s9+$0x0], $0xffff  }
0x74: {  	v8 =	vld.idx.msk [tilespmem:v2+s9+$0x0], $0xffff  }
0x75: {  	s25 =	simm.s32 $0x80;
	v3 =	vld.idx.msk [tilespmem:v3+s9+$0x0], $0xffff  }
0x76: {  	s26 =	simm.s32 $0x40;
	s24 =	sadd.s32 $0x20, s19;
	s19 =	sor.u32 $0x80, s19;
	v1 =	vld.idx.msk [tilespmem:v4+s9+$0x0], $0xffff  }
0x77: {  	s28 =	sand.u32 $0x40, s26;
	s18 =	sor.u32 $0x80, s24;
	v4 =	vld [tilespmem:s19+$0x4E00];
	s19 =	sand.u32 $0x300, s25  }
0x78: {  	v2 =	vld [tilespmem:s18+$0x4E00];
	s18 =	sor.u32 s28, s19  }
0x79: {  	p1 =	por !p1, !p1;
	s19 =	simm.s32 $0x1;
	v9 =	vld [tilespmem:s18+$0x4E00]  }
0x7a: {  	s19 =	simm.s32 @!p1 $0x0;
	[tilespmem:v5+s13+$0x0] =	vst.idx.add.f32.msk $0xffff, v7  }
0x7b: {  	s19 =	sshll.u32 s19, $0x6;
	v5 =	vld [tilespmem:s18+$0x4E30]  }
0x7c: {  	v11 =	vld [tilespmem:s18+$0x4E10];
	s19 =	sadd.s32 $0x80, s19  }
0x7d: {  	v12 =	vld [tilespmem:s18+$0x4E20];
	s29 =	sadd.s32 $0x30, s19  }
0x7e: {  	[tilespmem:v6+s13+$0x0] =	vst.idx.add.f32.msk $0xffff, v3;
	s30 =	sadd.s32 $0x10, s19;
	s31 =	sadd.s32 $0x20, s19;
	s19 =	sor.u32 $0x80, s19  }
0x7f: {  	s18 =	sor.u32 $0x80, s29;
	v6 =	vld [tilespmem:s19+$0x4E00]  }
0x80: {  	s20 =	sor.u32 $0x80, s30;
	v7 =	vld [tilespmem:s18+$0x4E00]  }
0x81: {  	v3 =	vld [tilespmem:s20+$0x4E00]  }
0x82: {  	[tilespmem:v4+s13+$0x0] =	vst.idx.add.f32.msk $0xffff, v8  }
0x83: {  	v10 =	vld.idx.msk [tilespmem:v5+s9+$0x0], $0xffff  }
0x84: {  	v4 =	vld.idx.msk [tilespmem:v9+s9+$0x0], $0xffff  }
0x85: {  	s18 =	sor.u32 $0x80, s31;
	v8 =	vld.idx.msk [tilespmem:v12+s9+$0x0], $0xffff  }
0x86: {  	v9 =	vld [tilespmem:s18+$0x4E00]  }
0x87: {  	s19 =	simm.s32 $0x100;
	s20 =	simm.s32 $0x80;
	s18 =	simm.s32 $0x4;
	v5 =	vld.idx.msk [tilespmem:v11+s9+$0x0], $0xffff  }
.LBB2_7:
0x88: {  	s21 =	sand.u32 $0x40, s20;
	s22 =	sand.u32 $0x300, s19;
	s18 =	sadd.s32 $0x4, s18;
	[tilespmem:v7+s13+$0x0] =	vst.idx.add.f32.msk $0xffff, v10  }
0x89: {  	s21 =	sor.u32 s21, s22;
	p2 =	slt.u32 s18, $0x1C;
	[tilespmem:v2+s13+$0x0] =	vst.idx.add.f32.msk $0xffff, v1  }
0x8a: {  	p1 =	por !p1, !p1;
	s22 =	simm.s32 $0x1;
	v10 =	vld [tilespmem:s21+$0x4E30]  }
0x8b: {  	v1 =	vmov v8;
	v2 =	vmov v9;
	s22 =	simm.s32 @!p1 $0x0;
	v11 =	vld [tilespmem:s21+$0x4E00]  }
0x8c: {  	s22 =	sshll.u32 s22, $0x6;
	v8 =	vld [tilespmem:s21+$0x4E10]  }
0x8d: {  	s22 =	sadd.s32 s22, s19;
	v9 =	vld [tilespmem:s21+$0x4E20]  }
0x8e: {  	s21 =	sadd.s32 $0x10, s22;
	s23 =	sadd.s32 $0x20, s22;
	s24 =	sadd.s32 $0x30, s22;
	[tilespmem:v3+s13+$0x0] =	vst.idx.add.f32.msk $0xffff, v5  }
0x8f: {  	s21 =	sor.u32 $0x80, s21;
	s23 =	sor.u32 $0x80, s23;
	s24 =	sor.u32 $0x80, s24;
	[tilespmem:v6+s13+$0x0] =	vst.idx.add.f32.msk $0xffff, v4  }
0x90: {  	s22 =	sor.u32 $0x80, s22;
	v7 =	vld [tilespmem:s24+$0x4E00]  }
0x91: {  	v3 =	vld [tilespmem:s21+$0x4E00]  }
0x92: {  	v10 =	vld.idx.msk [tilespmem:v10+s9+$0x0], $0xffff  }
.Ltmp5:
0x93: {  	v4 =	vld.idx.msk [tilespmem:v11+s9+$0x0], $0xffff;
	(pc) =	sbr.rel @p2 .LBB2_7-.Ltmp5, $4  }
0x94: {  	v5 =	vld.idx.msk [tilespmem:v8+s9+$0x0], $0xffff  }
0x95: {  	v8 =	vld.idx.msk [tilespmem:v9+s9+$0x0], $0xffff  }
0x96: {  	v9 =	vld [tilespmem:s23+$0x4E00]  }
0x97: {  	s20 =	sadd.s32 $0x40, s20;
	s19 =	sadd.s32 $0x80, s19;
	v6 =	vld [tilespmem:s22+$0x4E00]  }
.Ltmp6:
0x98: {  	_ = 	snop;
	(pc) =	sbr.rel .LBB2_8-.Ltmp6, $1  }
0x99: {  	_ =	sdelay $0x3  }
.LBB2_10:
0x9a: {  	_ =	sfence.sel $0x180000  }
0x9b: {  	[bflag:$0x0] =	sbarrier.arrive $0xFFFF  }
0x9c: {  	p0 =	sne.s32 s0, $0x0;
	_ =	strace $0x9000004A  }
0x9d: {  	s0 =	sadd.s32 @!p0 $0x100000, s1;
	[bflag:$0x2] =	sbarrier.arrive $0xFFFF  }
0x9e: {  	[sflag:s0] =	ssyncadd.tile.s32 @!p0 $0x1;
	_ =	shalt  }
.Lfunc_end2:
_tile_overlayer_lowered:
.L_overlay_start_2:
0x9f: {  	(tag) =	ssettag $0x2  }
0xa0: {  	s0 =	rddreg [dreg:$0x0];
	s2 =	stileid.u32  }
0xa1: {  	s1 =	rddreg [dreg:$0x1];
	p0 =	sne.s32 s2, $0x0  }
0xa2: {  	s3 =	rddreg [dreg:$0x2];
	[bflag:$0x3] =	sbarrier.arrive $0xFFFF;
	s2 =	simm.s32 @!p0 $0x1C04  }
0xa3: {  	[timem:s3], [sflag:s2] =	dma.local @!p0 [hbm:s0], s1  }
0xa4: {  	s0 =	simm.s32 @!p0 $0x4  }
0xa5: {  	_ =	swait.ge @!p0 [sflag:s0], s1  }
0xa6: {  	s1 =	ssub.s32 @!p0 $0x0, s1;
	[sflag:s0] =	ssyncset.done @!p0 $0x0  }
0xa7: {  	[sflag:s0] =	ssyncadd.s32 @!p0 s1  }
0xa8: {  	[bflag:$0x3] =	sbarrier.arrive $0xFFFF  }
0xa9: {  	_ =	shalt  }

</sc_bundles>
